<compile_context>
chip_gen: v7x
topology: tpu7x:2x2x1
jax: 0.10.2.dev20260603
libtpu: 0.0.44.dev20260713+nightly
codegen_flags: <defaults>
</compile_context>

<pallas_src>
import functools

import jax
import jax.numpy as jnp
from jax import lax
from jax.experimental import pallas as pl
from jax.experimental.pallas import tpu as pltpu
from jax.experimental.pallas import tpu_sc as plsc

N_NODES = 100000
N_EDGES = 6400000
IN_DIM = 2
HIDDEN = 128

NC, NS = 2, 16
NW = NC * NS
E_PER_W = N_EDGES // NW
CE = 5000
NCHUNK = E_PER_W // CE
NRING = 4
NPT = 6256
NPT_LAST = N_NODES - (NS - 1) * NPT


def _sc_body(ei_hbm, ft0_hbm, ft1_hbm, zeros_hbm, out_hbm,
             sv0, sv1, sv2, sv3, dv0, dv1, dv2, dv3,
             v00, v01, v02, v03, v10, v11, v12, v13,
             fs0, fs1, acc0, acc1,
             semg, si0, si1, si2, si3, ss0, ss1, ss2, ss3):
    SV = (sv0, sv1, sv2, sv3)
    DV = (dv0, dv1, dv2, dv3)
    V0 = (v00, v01, v02, v03)
    V1 = (v10, v11, v12, v13)
    SI = (si0, si1, si2, si3)
    SS = (ss0, ss1, ss2, ss3)
    cid = lax.axis_index("c")
    sid = lax.axis_index("s")
    wid = sid * NC + cid

    nbase = sid * NPT

    def stage(n):
        pltpu.sync_copy(ft0_hbm.at[pl.ds(nbase, n)], fs0.at[pl.ds(nbase, n)])
        pltpu.sync_copy(ft1_hbm.at[pl.ds(nbase, n)], fs1.at[pl.ds(nbase, n)])
        pltpu.sync_copy(zeros_hbm.at[pl.ds(nbase, n)], acc0.at[pl.ds(nbase, n)])
        pltpu.sync_copy(zeros_hbm.at[pl.ds(nbase, n)], acc1.at[pl.ds(nbase, n)])

    @pl.when(sid < NS - 1)
    def _():
        stage(NPT)

    @pl.when(sid == NS - 1)
    def _():
        stage(NPT_LAST)

    plsc.subcore_barrier()

    e_base = wid * E_PER_W

    pltpu.async_copy(ei_hbm.at[0, pl.ds(e_base, CE)], SV[0], SI[0])
    pltpu.async_copy(ei_hbm.at[1, pl.ds(e_base, CE)], DV[0], SI[0])

    def pipeline(j, carry):
        for b in range(NRING):
            i = NRING * j + b
            d = (b + 1) % NRING

            def drain_scatters():
                pltpu.make_async_copy(ft0_hbm.at[pl.ds(0, CE)], V0[d], SS[d]).wait()
                pltpu.make_async_copy(ft0_hbm.at[pl.ds(0, CE)], V1[d], SS[d]).wait()

            if b == NRING - 1:
                drain_scatters()
            else:
                pl.when(j > 0)(drain_scatters)

            def prefetch_idx():
                e1 = e_base + (i + 1) * CE
                pltpu.async_copy(ei_hbm.at[0, pl.ds(e1, CE)], SV[d], SI[d])
                pltpu.async_copy(ei_hbm.at[1, pl.ds(e1, CE)], DV[d], SI[d])

            if b < NRING - 1:
                prefetch_idx()
            else:
                pl.when(j < NCHUNK // NRING - 1)(prefetch_idx)

            pltpu.make_async_copy(ei_hbm.at[0, pl.ds(0, CE)], SV[b], SI[b]).wait()
            pltpu.make_async_copy(ei_hbm.at[0, pl.ds(0, CE)], DV[b], SI[b]).wait()

            g0 = pltpu.async_copy(fs0.at[SV[b]], V0[b], semg)
            g1 = pltpu.async_copy(fs1.at[SV[b]], V1[b], semg)
            g0.wait()
            g1.wait()

            pltpu.async_copy(V0[b], acc0.at[DV[b]], SS[b], add=True)
            pltpu.async_copy(V1[b], acc1.at[DV[b]], SS[b], add=True)
        return carry

    lax.fori_loop(0, NCHUNK // NRING, pipeline, 0)

    for d in range(1, NRING):
        pltpu.make_async_copy(ft0_hbm.at[pl.ds(0, CE)], V0[d], SS[d]).wait()
        pltpu.make_async_copy(ft0_hbm.at[pl.ds(0, CE)], V1[d], SS[d]).wait()

    plsc.subcore_barrier()

    def unstage(n):
        pltpu.sync_copy(acc0.at[pl.ds(nbase, n)],
                        out_hbm.at[cid, 0, pl.ds(nbase, n)])
        pltpu.sync_copy(acc1.at[pl.ds(nbase, n)],
                        out_hbm.at[cid, 1, pl.ds(nbase, n)])

    @pl.when(sid < NS - 1)
    def _():
        unstage(NPT)

    @pl.when(sid == NS - 1)
    def _():
        unstage(NPT_LAST)


_sc_mesh = plsc.VectorSubcoreMesh(core_axis_name="c", subcore_axis_name="s",
                                  num_cores=NC, num_subcores=NS)

_sc_seg_sum = functools.partial(
    pl.kernel,
    out_type=jax.ShapeDtypeStruct((NC, IN_DIM, N_NODES), jnp.float32),
    mesh=_sc_mesh,
    scratch_types=(
        [pltpu.VMEM((CE,), jnp.int32) for _ in range(8)]
        + [pltpu.VMEM((CE,), jnp.float32) for _ in range(8)]
        + [pltpu.VMEM_SHARED((N_NODES,), jnp.float32) for _ in range(4)]
        + [pltpu.SemaphoreType.DMA for _ in range(9)]
    ),
    compiler_params=pltpu.CompilerParams(use_tc_tiling_on_sc=False),
)(_sc_body)


N_PAD = 100352
BLK = 2048
GRID = N_PAD // BLK


def _tc_body(ft_ref, agg_ref, w1t_ref, b1c_ref, w2t_ref, b2c_ref,
             wc1t_ref, bc1c_ref, wc2t_ref, bc2c_ref, wc3c_ref, bc3_ref,
             out_ref, mx_ref):
    i = pl.program_id(0)
    a = agg_ref[...]
    x0 = ft_ref[0:1, :] + a[0:1, :] + a[2:3, :]
    x1 = ft_ref[1:2, :] + a[1:2, :] + a[3:4, :]
    w1t = w1t_ref[...]
    h = jnp.tanh(w1t[:, 0:1] * x0 + w1t[:, 1:2] * x1
                 + b1c_ref[...])
    h = jnp.tanh(jnp.dot(w2t_ref[...], h,
                         preferred_element_type=jnp.float32) + b2c_ref[...])
    lane = jax.lax.broadcasted_iota(jnp.int32, (HIDDEN, BLK), 1) + i * BLK
    h = jnp.where(lane < N_NODES, h, -2.0)
    m = jnp.max(h, axis=1, keepdims=True)

    @pl.when(i == 0)
    def _():
        mx_ref[...] = m

    @pl.when(i > 0)
    def _():
        mx_ref[...] = jnp.maximum(mx_ref[...], m)

    @pl.when(i == GRID - 1)
    def _():
        p = mx_ref[...]
        c = jnp.dot(wc1t_ref[...], p,
                    preferred_element_type=jnp.float32) + bc1c_ref[...]
        c = jnp.where(c > 0, c, jnp.exp(c) - 1.0)
        c = jnp.dot(wc2t_ref[...], c,
                    preferred_element_type=jnp.float32) + bc2c_ref[...]
        c = jnp.where(c > 0, c, jnp.exp(c) - 1.0)
        out_ref[...] = (jnp.sum(c * wc3c_ref[...], axis=0, keepdims=True)
                        + bc3_ref[...])


def _tc_dense(ft, aggc, w1t, b1c, w2t, b2c, wc1t, bc1c, wc2t, bc2c, wc3c, bc3):
    cfull = lambda shape: pl.BlockSpec(shape, lambda i: (0, 0))
    return pl.pallas_call(
        _tc_body,
        grid=(GRID,),
        in_specs=[
            pl.BlockSpec((IN_DIM, BLK), lambda i: (0, i)),
            pl.BlockSpec((2 * IN_DIM, BLK), lambda i: (0, i)),
            cfull((HIDDEN, IN_DIM)),
            cfull((HIDDEN, 1)),
            cfull((HIDDEN, HIDDEN)),
            cfull((HIDDEN, 1)),
            cfull((HIDDEN, HIDDEN)),
            cfull((HIDDEN, 1)),
            cfull((32, HIDDEN)),
            cfull((32, 1)),
            cfull((32, 1)),
            cfull((1, 1)),
        ],
        out_specs=pl.BlockSpec((1, 1), lambda i: (0, 0)),
        out_shape=jax.ShapeDtypeStruct((1, 1), jnp.float32),
        scratch_shapes=[pltpu.VMEM((HIDDEN, 1), jnp.float32)],
        compiler_params=pltpu.CompilerParams(
            dimension_semantics=("arbitrary",)),
    )(ft, aggc, w1t, b1c, w2t, b2c, wc1t, bc1c, wc2t, bc2c, wc3c, bc3)


def kernel(feats, edge_index, W1, b1, W2, b2, Wc1, bc1, Wc2, bc2, Wc3, bc3):
    ei = edge_index.astype(jnp.int32)
    ft = feats.T
    zeros = jnp.zeros((N_NODES,), jnp.float32)
    aggp = _sc_seg_sum(ei, ft[0], ft[1], zeros)
    aggc = aggp.reshape(NC * IN_DIM, N_NODES)
    pad = ((0, 0), (0, N_PAD - N_NODES))
    return _tc_dense(
        jnp.pad(ft, pad), jnp.pad(aggc, pad),
        W1.T, b1.reshape(HIDDEN, 1), W2.T, b2.reshape(HIDDEN, 1),
        Wc1.T, bc1.reshape(HIDDEN, 1), Wc2.T, bc2.reshape(32, 1),
        Wc3, bc3.reshape(1, 1))

# --- scband reference (transcript-rebuilt; emitter-appended) ---
"""Pipeline reference for scband-ginmodel-57440892617192 (READ-ONLY COPY).

The authoritative reference and input builder live on the scoring server;
editing this copy changes nothing except your own understanding.
"""

import jax, jax.numpy as jnp
import numpy as np

N_NODES = 100000
N_EDGES = 6400000
IN_DIM = 2
HIDDEN = 128
OUT_DIM = 1


def setup_inputs(seed: int = 0) -> dict:
    key = jax.random.key(seed)
    ks = jax.random.split(key, 12)
    feats = jax.random.normal(ks[0], (N_NODES, IN_DIM), dtype=jnp.float32)
    edge_index = jax.random.randint(ks[1], (2, N_EDGES), 0, N_NODES, dtype=jnp.int64)
    # GINConv MLP: Linear(2, hidden) -> Tanh -> Linear(hidden, hidden)
    W1 = jax.random.normal(ks[2], (IN_DIM, HIDDEN), dtype=jnp.float32) * (1.0 / np.sqrt(IN_DIM))
    b1 = jnp.zeros((HIDDEN,), dtype=jnp.float32)
    W2 = jax.random.normal(ks[3], (HIDDEN, HIDDEN), dtype=jnp.float32) * (1.0 / np.sqrt(HIDDEN))
    b2 = jnp.zeros((HIDDEN,), dtype=jnp.float32)
    # Classifier: Linear(hidden, hidden) -> ELU -> Dropout -> Linear(hidden, 32) -> ELU -> Linear(32, 1)
    Wc1 = jax.random.normal(ks[4], (HIDDEN, HIDDEN), dtype=jnp.float32) * (1.0 / np.sqrt(HIDDEN))
    bc1 = jnp.zeros((HIDDEN,), dtype=jnp.float32)
    Wc2 = jax.random.normal(ks[5], (HIDDEN, 32), dtype=jnp.float32) * (1.0 / np.sqrt(HIDDEN))
    bc2 = jnp.zeros((32,), dtype=jnp.float32)
    Wc3 = jax.random.normal(ks[6], (32, OUT_DIM), dtype=jnp.float32) * (1.0 / np.sqrt(32))
    bc3 = jnp.zeros((OUT_DIM,), dtype=jnp.float32)
    return {"feats": feats, "edge_index": edge_index, "W1": W1, "b1": b1, "W2": W2, "b2": b2,
            "Wc1": Wc1, "bc1": bc1, "Wc2": Wc2, "bc2": bc2, "Wc3": Wc3, "bc3": bc3}


def reference(feats, edge_index, W1, b1, W2, b2, Wc1, bc1, Wc2, bc2, Wc3, bc3):
    src = edge_index[0]
    dst = edge_index[1]
    # GINConv, aggregator='sum', eps=0 (not learned):
    # h_v = MLP((1 + eps) * x_v + sum_{u in N(v)} x_u)
    msgs = jnp.take(feats, src, axis=0)
    agg = jax.ops.segment_sum(msgs, dst, num_segments=feats.shape[0])
    h = feats + agg
    # MLP: Linear -> Tanh -> Linear (norm='none', no activation on output layer)
    h = jnp.tanh(h @ W1 + b1)
    h = h @ W2 + b2
    # post-conv activation (Tanh), dropout p=0 (identity in eval)
    h = jnp.tanh(h)
    # MaxPooling over all nodes (single graph) -> [1, hidden]
    pooled = jnp.max(h, axis=0, keepdims=True)
    # classifier
    c = pooled @ Wc1 + bc1
    c = jax.nn.elu(c)
    # Dropout(0.5) is identity in eval mode
    c = c @ Wc2 + bc2
    c = jax.nn.elu(c)
    out = c @ Wc3 + bc3
    return out

if __name__ == "__main__":
    import jax
    _d = setup_inputs()
    print(jax.jit(kernel)(*tuple(_d.values())))

</pallas_src>

<mosaic_0001>
#map = affine_map<(d0, d1) -> (0, 0)>
#map1 = affine_map<(d0, d1) -> (0)>
#map2 = affine_map<(d0, d1) -> (0, 0, 0)>
module attributes {stable_mosaic.version = 14 : i64} {
  func.func @_sc_body(%arg0: i32, %arg1: i32, %arg2: memref<2x6400000xi32, #tpu.memory_space<hbm>>, %arg3: memref<100000xf32, #tpu.memory_space<hbm>>, %arg4: memref<100000xf32, #tpu.memory_space<hbm>>, %arg5: memref<100000xf32, #tpu.memory_space<hbm>>, %arg6: memref<2x2x100000xf32, #tpu.memory_space<hbm>>, %arg7: memref<5000xi32, #tpu.memory_space<vmem>>, %arg8: memref<5000xi32, #tpu.memory_space<vmem>>, %arg9: memref<5000xi32, #tpu.memory_space<vmem>>, %arg10: memref<5000xi32, #tpu.memory_space<vmem>>, %arg11: memref<5000xi32, #tpu.memory_space<vmem>>, %arg12: memref<5000xi32, #tpu.memory_space<vmem>>, %arg13: memref<5000xi32, #tpu.memory_space<vmem>>, %arg14: memref<5000xi32, #tpu.memory_space<vmem>>, %arg15: memref<5000xf32, #tpu.memory_space<vmem>>, %arg16: memref<5000xf32, #tpu.memory_space<vmem>>, %arg17: memref<5000xf32, #tpu.memory_space<vmem>>, %arg18: memref<5000xf32, #tpu.memory_space<vmem>>, %arg19: memref<5000xf32, #tpu.memory_space<vmem>>, %arg20: memref<5000xf32, #tpu.memory_space<vmem>>, %arg21: memref<5000xf32, #tpu.memory_space<vmem>>, %arg22: memref<5000xf32, #tpu.memory_space<vmem>>, %arg23: memref<100000xf32, #tpu.memory_space<vmem_shared>>, %arg24: memref<100000xf32, #tpu.memory_space<vmem_shared>>, %arg25: memref<100000xf32, #tpu.memory_space<vmem_shared>>, %arg26: memref<100000xf32, #tpu.memory_space<vmem_shared>>, %arg27: memref<!tpu.dma_semaphore, #tpu.memory_space<semaphore_mem>>, %arg28: memref<!tpu.dma_semaphore, #tpu.memory_space<semaphore_mem>>, %arg29: memref<!tpu.dma_semaphore, #tpu.memory_space<semaphore_mem>>, %arg30: memref<!tpu.dma_semaphore, #tpu.memory_space<semaphore_mem>>, %arg31: memref<!tpu.dma_semaphore, #tpu.memory_space<semaphore_mem>>, %arg32: memref<!tpu.dma_semaphore, #tpu.memory_space<semaphore_mem>>, %arg33: memref<!tpu.dma_semaphore, #tpu.memory_space<semaphore_mem>>, %arg34: memref<!tpu.dma_semaphore, #tpu.memory_space<semaphore_mem>>, %arg35: memref<!tpu.dma_semaphore, #tpu.memory_space<semaphore_mem>>) attributes {dimension_semantics = [#tpu.dimension_semantics<core_parallel>, #tpu.dimension_semantics<subcore_parallel>], iteration_bounds = array<i64: 2, 16>, scalar_prefetch = 0 : i64, scratch_operands = 29 : i64, tpu.core_type = #tpu.core_type<sc_vector_subcore>, window_params = [{transform_indices = #map}, {transform_indices = #map1}, {transform_indices = #map1}, {transform_indices = #map1}, {transform_indices = #map2}]} {
    %mul3A = arith.constant 2 : i32
    %mul3A_0 = arith.muli %arg1, %mul3A : i32
    %add3A = arith.addi %mul3A_0, %arg0 : i32
    %mul3A_1 = arith.constant 6256 : i32
    %mul3A_2 = arith.muli %arg1, %mul3A_1 : i32
    %lt3A = arith.constant 15 : i32
    %lt3A_3 = arith.cmpi slt, %arg1, %lt3A : i32
    %convert_element_type3A = arith.extui %lt3A_3 : i1 to i32
    %cond3A = arith.constant 0 : i32
    %cond3A_4 = arith.cmpi ne, %convert_element_type3A, %cond3A : i32
    scf.if %cond3A_4 {
      "tpu.region"() ({
        %run_scoped3A = tpu.sem_alloc : memref<!tpu.dma_semaphore, #tpu.memory_space<semaphore_mem>>
        %dma_start3A_59 = tpu.memref_slice %arg23[%mul3A_2] : memref<100000xf32, #tpu.memory_space<vmem_shared>> -> memref<6256xf32, #tpu.memory_space<vmem_shared>>
        %dma_start3A_60 = tpu.memref_slice %arg3[%mul3A_2] : memref<100000xf32, #tpu.memory_space<hbm>> -> memref<6256xf32, #tpu.memory_space<hbm>>
        tpu.enqueue_dma source(%dma_start3A_60 : memref<6256xf32, #tpu.memory_space<hbm>>) target(%dma_start3A_59 : memref<6256xf32, #tpu.memory_space<vmem_shared>>) target_semaphore(%run_scoped3A : memref<!tpu.dma_semaphore, #tpu.memory_space<semaphore_mem>>)
        %dma_wait3A_61 = tpu.memref_slice %arg23[%mul3A_2] : memref<100000xf32, #tpu.memory_space<vmem_shared>> -> memref<6256xf32, #tpu.memory_space<vmem_shared>>
        %dma_wait3A_62 = tpu.memref_slice %arg3[%mul3A_2] : memref<100000xf32, #tpu.memory_space<hbm>> -> memref<6256xf32, #tpu.memory_space<hbm>>
        tpu.wait_dma2 semaphore(%run_scoped3A : memref<!tpu.dma_semaphore, #tpu.memory_space<semaphore_mem>>) src(%dma_wait3A_62 : memref<6256xf32, #tpu.memory_space<hbm>>) dst(%dma_wait3A_61 : memref<6256xf32, #tpu.memory_space<vmem_shared>>)
        tpu.yield
      }) : () -> ()
      "tpu.region"() ({
        %run_scoped3A = tpu.sem_alloc : memref<!tpu.dma_semaphore, #tpu.memory_space<semaphore_mem>>
        %dma_start3A_59 = tpu.memref_slice %arg24[%mul3A_2] : memref<100000xf32, #tpu.memory_space<vmem_shared>> -> memref<6256xf32, #tpu.memory_space<vmem_shared>>
        %dma_start3A_60 = tpu.memref_slice %arg4[%mul3A_2] : memref<100000xf32, #tpu.memory_space<hbm>> -> memref<6256xf32, #tpu.memory_space<hbm>>
        tpu.enqueue_dma source(%dma_start3A_60 : memref<6256xf32, #tpu.memory_space<hbm>>) target(%dma_start3A_59 : memref<6256xf32, #tpu.memory_space<vmem_shared>>) target_semaphore(%run_scoped3A : memref<!tpu.dma_semaphore, #tpu.memory_space<semaphore_mem>>)
        %dma_wait3A_61 = tpu.memref_slice %arg24[%mul3A_2] : memref<100000xf32, #tpu.memory_space<vmem_shared>> -> memref<6256xf32, #tpu.memory_space<vmem_shared>>
        %dma_wait3A_62 = tpu.memref_slice %arg4[%mul3A_2] : memref<100000xf32, #tpu.memory_space<hbm>> -> memref<6256xf32, #tpu.memory_space<hbm>>
        tpu.wait_dma2 semaphore(%run_scoped3A : memref<!tpu.dma_semaphore, #tpu.memory_space<semaphore_mem>>) src(%dma_wait3A_62 : memref<6256xf32, #tpu.memory_space<hbm>>) dst(%dma_wait3A_61 : memref<6256xf32, #tpu.memory_space<vmem_shared>>)
        tpu.yield
      }) : () -> ()
      "tpu.region"() ({
        %run_scoped3A = tpu.sem_alloc : memref<!tpu.dma_semaphore, #tpu.memory_space<semaphore_mem>>
        %dma_start3A_59 = tpu.memref_slice %arg25[%mul3A_2] : memref<100000xf32, #tpu.memory_space<vmem_shared>> -> memref<6256xf32, #tpu.memory_space<vmem_shared>>
        %dma_start3A_60 = tpu.memref_slice %arg5[%mul3A_2] : memref<100000xf32, #tpu.memory_space<hbm>> -> memref<6256xf32, #tpu.memory_space<hbm>>
        tpu.enqueue_dma source(%dma_start3A_60 : memref<6256xf32, #tpu.memory_space<hbm>>) target(%dma_start3A_59 : memref<6256xf32, #tpu.memory_space<vmem_shared>>) target_semaphore(%run_scoped3A : memref<!tpu.dma_semaphore, #tpu.memory_space<semaphore_mem>>)
        %dma_wait3A_61 = tpu.memref_slice %arg25[%mul3A_2] : memref<100000xf32, #tpu.memory_space<vmem_shared>> -> memref<6256xf32, #tpu.memory_space<vmem_shared>>
        %dma_wait3A_62 = tpu.memref_slice %arg5[%mul3A_2] : memref<100000xf32, #tpu.memory_space<hbm>> -> memref<6256xf32, #tpu.memory_space<hbm>>
        tpu.wait_dma2 semaphore(%run_scoped3A : memref<!tpu.dma_semaphore, #tpu.memory_space<semaphore_mem>>) src(%dma_wait3A_62 : memref<6256xf32, #tpu.memory_space<hbm>>) dst(%dma_wait3A_61 : memref<6256xf32, #tpu.memory_space<vmem_shared>>)
        tpu.yield
      }) : () -> ()
      "tpu.region"() ({
        %run_scoped3A = tpu.sem_alloc : memref<!tpu.dma_semaphore, #tpu.memory_space<semaphore_mem>>
        %dma_start3A_59 = tpu.memref_slice %arg26[%mul3A_2] : memref<100000xf32, #tpu.memory_space<vmem_shared>> -> memref<6256xf32, #tpu.memory_space<vmem_shared>>
        %dma_start3A_60 = tpu.memref_slice %arg5[%mul3A_2] : memref<100000xf32, #tpu.memory_space<hbm>> -> memref<6256xf32, #tpu.memory_space<hbm>>
        tpu.enqueue_dma source(%dma_start3A_60 : memref<6256xf32, #tpu.memory_space<hbm>>) target(%dma_start3A_59 : memref<6256xf32, #tpu.memory_space<vmem_shared>>) target_semaphore(%run_scoped3A : memref<!tpu.dma_semaphore, #tpu.memory_space<semaphore_mem>>)
        %dma_wait3A_61 = tpu.memref_slice %arg26[%mul3A_2] : memref<100000xf32, #tpu.memory_space<vmem_shared>> -> memref<6256xf32, #tpu.memory_space<vmem_shared>>
        %dma_wait3A_62 = tpu.memref_slice %arg5[%mul3A_2] : memref<100000xf32, #tpu.memory_space<hbm>> -> memref<6256xf32, #tpu.memory_space<hbm>>
        tpu.wait_dma2 semaphore(%run_scoped3A : memref<!tpu.dma_semaphore, #tpu.memory_space<semaphore_mem>>) src(%dma_wait3A_62 : memref<6256xf32, #tpu.memory_space<hbm>>) dst(%dma_wait3A_61 : memref<6256xf32, #tpu.memory_space<vmem_shared>>)
        tpu.yield
      }) : () -> ()
    } else {
    }
    %eq3A = arith.constant 15 : i32
    %eq3A_5 = arith.cmpi eq, %arg1, %eq3A : i32
    %convert_element_type3A_6 = arith.extui %eq3A_5 : i1 to i32
    %cond3A_7 = arith.constant 0 : i32
    %cond3A_8 = arith.cmpi ne, %convert_element_type3A_6, %cond3A_7 : i32
    scf.if %cond3A_8 {
      "tpu.region"() ({
        %run_scoped3A = tpu.sem_alloc : memref<!tpu.dma_semaphore, #tpu.memory_space<semaphore_mem>>
        %dma_start3A_59 = tpu.memref_slice %arg23[%mul3A_2] : memref<100000xf32, #tpu.memory_space<vmem_shared>> -> memref<6160xf32, #tpu.memory_space<vmem_shared>>
        %dma_start3A_60 = tpu.memref_slice %arg3[%mul3A_2] : memref<100000xf32, #tpu.memory_space<hbm>> -> memref<6160xf32, #tpu.memory_space<hbm>>
        tpu.enqueue_dma source(%dma_start3A_60 : memref<6160xf32, #tpu.memory_space<hbm>>) target(%dma_start3A_59 : memref<6160xf32, #tpu.memory_space<vmem_shared>>) target_semaphore(%run_scoped3A : memref<!tpu.dma_semaphore, #tpu.memory_space<semaphore_mem>>)
        %dma_wait3A_61 = tpu.memref_slice %arg23[%mul3A_2] : memref<100000xf32, #tpu.memory_space<vmem_shared>> -> memref<6160xf32, #tpu.memory_space<vmem_shared>>
        %dma_wait3A_62 = tpu.memref_slice %arg3[%mul3A_2] : memref<100000xf32, #tpu.memory_space<hbm>> -> memref<6160xf32, #tpu.memory_space<hbm>>
        tpu.wait_dma2 semaphore(%run_scoped3A : memref<!tpu.dma_semaphore, #tpu.memory_space<semaphore_mem>>) src(%dma_wait3A_62 : memref<6160xf32, #tpu.memory_space<hbm>>) dst(%dma_wait3A_61 : memref<6160xf32, #tpu.memory_space<vmem_shared>>)
        tpu.yield
      }) : () -> ()
      "tpu.region"() ({
        %run_scoped3A = tpu.sem_alloc : memref<!tpu.dma_semaphore, #tpu.memory_space<semaphore_mem>>
        %dma_start3A_59 = tpu.memref_slice %arg24[%mul3A_2] : memref<100000xf32, #tpu.memory_space<vmem_shared>> -> memref<6160xf32, #tpu.memory_space<vmem_shared>>
        %dma_start3A_60 = tpu.memref_slice %arg4[%mul3A_2] : memref<100000xf32, #tpu.memory_space<hbm>> -> memref<6160xf32, #tpu.memory_space<hbm>>
        tpu.enqueue_dma source(%dma_start3A_60 : memref<6160xf32, #tpu.memory_space<hbm>>) target(%dma_start3A_59 : memref<6160xf32, #tpu.memory_space<vmem_shared>>) target_semaphore(%run_scoped3A : memref<!tpu.dma_semaphore, #tpu.memory_space<semaphore_mem>>)
        %dma_wait3A_61 = tpu.memref_slice %arg24[%mul3A_2] : memref<100000xf32, #tpu.memory_space<vmem_shared>> -> memref<6160xf32, #tpu.memory_space<vmem_shared>>
        %dma_wait3A_62 = tpu.memref_slice %arg4[%mul3A_2] : memref<100000xf32, #tpu.memory_space<hbm>> -> memref<6160xf32, #tpu.memory_space<hbm>>
        tpu.wait_dma2 semaphore(%run_scoped3A : memref<!tpu.dma_semaphore, #tpu.memory_space<semaphore_mem>>) src(%dma_wait3A_62 : memref<6160xf32, #tpu.memory_space<hbm>>) dst(%dma_wait3A_61 : memref<6160xf32, #tpu.memory_space<vmem_shared>>)
        tpu.yield
      }) : () -> ()
      "tpu.region"() ({
        %run_scoped3A = tpu.sem_alloc : memref<!tpu.dma_semaphore, #tpu.memory_space<semaphore_mem>>
        %dma_start3A_59 = tpu.memref_slice %arg25[%mul3A_2] : memref<100000xf32, #tpu.memory_space<vmem_shared>> -> memref<6160xf32, #tpu.memory_space<vmem_shared>>
        %dma_start3A_60 = tpu.memref_slice %arg5[%mul3A_2] : memref<100000xf32, #tpu.memory_space<hbm>> -> memref<6160xf32, #tpu.memory_space<hbm>>
        tpu.enqueue_dma source(%dma_start3A_60 : memref<6160xf32, #tpu.memory_space<hbm>>) target(%dma_start3A_59 : memref<6160xf32, #tpu.memory_space<vmem_shared>>) target_semaphore(%run_scoped3A : memref<!tpu.dma_semaphore, #tpu.memory_space<semaphore_mem>>)
        %dma_wait3A_61 = tpu.memref_slice %arg25[%mul3A_2] : memref<100000xf32, #tpu.memory_space<vmem_shared>> -> memref<6160xf32, #tpu.memory_space<vmem_shared>>
        %dma_wait3A_62 = tpu.memref_slice %arg5[%mul3A_2] : memref<100000xf32, #tpu.memory_space<hbm>> -> memref<6160xf32, #tpu.memory_space<hbm>>
        tpu.wait_dma2 semaphore(%run_scoped3A : memref<!tpu.dma_semaphore, #tpu.memory_space<semaphore_mem>>) src(%dma_wait3A_62 : memref<6160xf32, #tpu.memory_space<hbm>>) dst(%dma_wait3A_61 : memref<6160xf32, #tpu.memory_space<vmem_shared>>)
        tpu.yield
      }) : () -> ()
      "tpu.region"() ({
        %run_scoped3A = tpu.sem_alloc : memref<!tpu.dma_semaphore, #tpu.memory_space<semaphore_mem>>
        %dma_start3A_59 = tpu.memref_slice %arg26[%mul3A_2] : memref<100000xf32, #tpu.memory_space<vmem_shared>> -> memref<6160xf32, #tpu.memory_space<vmem_shared>>
        %dma_start3A_60 = tpu.memref_slice %arg5[%mul3A_2] : memref<100000xf32, #tpu.memory_space<hbm>> -> memref<6160xf32, #tpu.memory_space<hbm>>
        tpu.enqueue_dma source(%dma_start3A_60 : memref<6160xf32, #tpu.memory_space<hbm>>) target(%dma_start3A_59 : memref<6160xf32, #tpu.memory_space<vmem_shared>>) target_semaphore(%run_scoped3A : memref<!tpu.dma_semaphore, #tpu.memory_space<semaphore_mem>>)
        %dma_wait3A_61 = tpu.memref_slice %arg26[%mul3A_2] : memref<100000xf32, #tpu.memory_space<vmem_shared>> -> memref<6160xf32, #tpu.memory_space<vmem_shared>>
        %dma_wait3A_62 = tpu.memref_slice %arg5[%mul3A_2] : memref<100000xf32, #tpu.memory_space<hbm>> -> memref<6160xf32, #tpu.memory_space<hbm>>
        tpu.wait_dma2 semaphore(%run_scoped3A : memref<!tpu.dma_semaphore, #tpu.memory_space<semaphore_mem>>) src(%dma_wait3A_62 : memref<6160xf32, #tpu.memory_space<hbm>>) dst(%dma_wait3A_61 : memref<6160xf32, #tpu.memory_space<vmem_shared>>)
        tpu.yield
      }) : () -> ()
    } else {
    }
    %barrier3A = arith.constant 0 : index
    tpu.barrier barrier_id(%barrier3A)
    %mul3A_9 = arith.constant 200000 : i32
    %mul3A_10 = arith.muli %add3A, %mul3A_9 : i32
    %dma_start3A = arith.constant 0 : i32
    %dma_start3A_11 = tpu.memref_slice %arg2[%dma_start3A, %mul3A_10] : memref<2x6400000xi32, #tpu.memory_space<hbm>> -> memref<1x5000xi32, #tpu.memory_space<hbm>>
    %dma_start3A_12 = tpu.memref_squeeze %dma_start3A_11 : memref<1x5000xi32, #tpu.memory_space<hbm>> -> memref<5000xi32, #tpu.memory_space<hbm>>
    %dma_start3A_13 = tpu.memref_slice %arg2[%dma_start3A, %mul3A_10] : memref<2x6400000xi32, #tpu.memory_space<hbm>> -> memref<1x5000xi32, #tpu.memory_space<hbm>>
    %dma_start3A_14 = tpu.memref_squeeze %dma_start3A_13 : memref<1x5000xi32, #tpu.memory_space<hbm>> -> memref<5000xi32, #tpu.memory_space<hbm>>
    tpu.enqueue_dma source(%dma_start3A_14 : memref<5000xi32, #tpu.memory_space<hbm>>) target(%arg7 : memref<5000xi32, #tpu.memory_space<vmem>>) target_semaphore(%arg28 : memref<!tpu.dma_semaphore, #tpu.memory_space<semaphore_mem>>)
    %dma_start3A_15 = arith.constant 1 : i32
    %dma_start3A_16 = tpu.memref_slice %arg2[%dma_start3A_15, %mul3A_10] : memref<2x6400000xi32, #tpu.memory_space<hbm>> -> memref<1x5000xi32, #tpu.memory_space<hbm>>
    %dma_start3A_17 = tpu.memref_squeeze %dma_start3A_16 : memref<1x5000xi32, #tpu.memory_space<hbm>> -> memref<5000xi32, #tpu.memory_space<hbm>>
    %dma_start3A_18 = tpu.memref_slice %arg2[%dma_start3A_15, %mul3A_10] : memref<2x6400000xi32, #tpu.memory_space<hbm>> -> memref<1x5000xi32, #tpu.memory_space<hbm>>
    %dma_start3A_19 = tpu.memref_squeeze %dma_start3A_18 : memref<1x5000xi32, #tpu.memory_space<hbm>> -> memref<5000xi32, #tpu.memory_space<hbm>>
    tpu.enqueue_dma source(%dma_start3A_19 : memref<5000xi32, #tpu.memory_space<hbm>>) target(%arg11 : memref<5000xi32, #tpu.memory_space<vmem>>) target_semaphore(%arg28 : memref<!tpu.dma_semaphore, #tpu.memory_space<semaphore_mem>>)
    %scan3A = arith.constant 0 : i32
    %scan3A_20 = arith.constant 0 : i32
    %scan3A_21 = arith.constant 10 : i32
    %scan3A_22 = arith.addi %scan3A_20, %scan3A_21 : i32
    %scan3A_23 = arith.constant 1 : i32
    scf.for %scan3A_59 = %scan3A_20 to %scan3A_22 step %scan3A_23  : i32 {
      %mul3A_60 = arith.constant 4 : i32
      %mul3A_61 = arith.muli %mul3A_60, %scan3A_59 : i32
      %add3A_62 = arith.constant 0 : i32
      %add3A_63 = arith.addi %mul3A_61, %add3A_62 : i32
      %gt3A = arith.constant 0 : i32
      %gt3A_64 = arith.cmpi sgt, %scan3A_59, %gt3A : i32
      %convert_element_type3A_65 = arith.extui %gt3A_64 : i1 to i32
      %cond3A_66 = arith.constant 0 : i32
      %cond3A_67 = arith.cmpi ne, %convert_element_type3A_65, %cond3A_66 : i32
      scf.if %cond3A_67 {
        %dma_wait3A_252 = arith.constant 0 : i32
        %dma_wait3A_253 = tpu.memref_slice %arg3[%dma_wait3A_252] : memref<100000xf32, #tpu.memory_space<hbm>> -> memref<5000xf32, #tpu.memory_space<hbm>>
        %dma_wait3A_254 = arith.constant 0 : i32
        %dma_wait3A_255 = tpu.memref_slice %arg3[%dma_wait3A_254] : memref<100000xf32, #tpu.memory_space<hbm>> -> memref<5000xf32, #tpu.memory_space<hbm>>
        tpu.wait_dma2 semaphore(%arg33 : memref<!tpu.dma_semaphore, #tpu.memory_space<semaphore_mem>>) src(%dma_wait3A_255 : memref<5000xf32, #tpu.memory_space<hbm>>) dst(%arg16 : memref<5000xf32, #tpu.memory_space<vmem>>)
        %dma_wait3A_256 = arith.constant 0 : i32
        %dma_wait3A_257 = tpu.memref_slice %arg3[%dma_wait3A_256] : memref<100000xf32, #tpu.memory_space<hbm>> -> memref<5000xf32, #tpu.memory_space<hbm>>
        %dma_wait3A_258 = arith.constant 0 : i32
        %dma_wait3A_259 = tpu.memref_slice %arg3[%dma_wait3A_258] : memref<100000xf32, #tpu.memory_space<hbm>> -> memref<5000xf32, #tpu.memory_space<hbm>>
        tpu.wait_dma2 semaphore(%arg33 : memref<!tpu.dma_semaphore, #tpu.memory_space<semaphore_mem>>) src(%dma_wait3A_259 : memref<5000xf32, #tpu.memory_space<hbm>>) dst(%arg20 : memref<5000xf32, #tpu.memory_space<vmem>>)
      } else {
      }
      %add3A_68 = arith.constant 1 : i32
      %add3A_69 = arith.addi %add3A_63, %add3A_68 : i32
      %mul3A_70 = arith.constant 5000 : i32
      %mul3A_71 = arith.muli %add3A_69, %mul3A_70 : i32
      %add3A_72 = arith.addi %mul3A_10, %mul3A_71 : i32
      %dma_start3A_73 = arith.constant 0 : i32
      %dma_start3A_74 = tpu.memref_slice %arg2[%dma_start3A_73, %add3A_72] : memref<2x6400000xi32, #tpu.memory_space<hbm>> -> memref<1x5000xi32, #tpu.memory_space<hbm>>
      %dma_start3A_75 = tpu.memref_squeeze %dma_start3A_74 : memref<1x5000xi32, #tpu.memory_space<hbm>> -> memref<5000xi32, #tpu.memory_space<hbm>>
      %dma_start3A_76 = tpu.memref_slice %arg2[%dma_start3A_73, %add3A_72] : memref<2x6400000xi32, #tpu.memory_space<hbm>> -> memref<1x5000xi32, #tpu.memory_space<hbm>>
      %dma_start3A_77 = tpu.memref_squeeze %dma_start3A_76 : memref<1x5000xi32, #tpu.memory_space<hbm>> -> memref<5000xi32, #tpu.memory_space<hbm>>
      tpu.enqueue_dma source(%dma_start3A_77 : memref<5000xi32, #tpu.memory_space<hbm>>) target(%arg8 : memref<5000xi32, #tpu.memory_space<vmem>>) target_semaphore(%arg29 : memref<!tpu.dma_semaphore, #tpu.memory_space<semaphore_mem>>)
      %dma_start3A_78 = arith.constant 1 : i32
      %dma_start3A_79 = tpu.memref_slice %arg2[%dma_start3A_78, %add3A_72] : memref<2x6400000xi32, #tpu.memory_space<hbm>> -> memref<1x5000xi32, #tpu.memory_space<hbm>>
      %dma_start3A_80 = tpu.memref_squeeze %dma_start3A_79 : memref<1x5000xi32, #tpu.memory_space<hbm>> -> memref<5000xi32, #tpu.memory_space<hbm>>
      %dma_start3A_81 = tpu.memref_slice %arg2[%dma_start3A_78, %add3A_72] : memref<2x6400000xi32, #tpu.memory_space<hbm>> -> memref<1x5000xi32, #tpu.memory_space<hbm>>
      %dma_start3A_82 = tpu.memref_squeeze %dma_start3A_81 : memref<1x5000xi32, #tpu.memory_space<hbm>> -> memref<5000xi32, #tpu.memory_space<hbm>>
      tpu.enqueue_dma source(%dma_start3A_82 : memref<5000xi32, #tpu.memory_space<hbm>>) target(%arg12 : memref<5000xi32, #tpu.memory_space<vmem>>) target_semaphore(%arg29 : memref<!tpu.dma_semaphore, #tpu.memory_space<semaphore_mem>>)
      %dma_wait3A_83 = arith.constant 0 : i32
      %dma_wait3A_84 = arith.constant 0 : i32
      %dma_wait3A_85 = tpu.memref_slice %arg2[%dma_wait3A_83, %dma_wait3A_84] : memref<2x6400000xi32, #tpu.memory_space<hbm>> -> memref<1x5000xi32, #tpu.memory_space<hbm>>
      %dma_wait3A_86 = tpu.memref_squeeze %dma_wait3A_85 : memref<1x5000xi32, #tpu.memory_space<hbm>> -> memref<5000xi32, #tpu.memory_space<hbm>>
      %dma_wait3A_87 = arith.constant 0 : i32
      %dma_wait3A_88 = tpu.memref_slice %arg2[%dma_wait3A_83, %dma_wait3A_87] : memref<2x6400000xi32, #tpu.memory_space<hbm>> -> memref<1x5000xi32, #tpu.memory_space<hbm>>
      %dma_wait3A_89 = tpu.memref_squeeze %dma_wait3A_88 : memref<1x5000xi32, #tpu.memory_space<hbm>> -> memref<5000xi32, #tpu.memory_space<hbm>>
      tpu.wait_dma2 semaphore(%arg28 : memref<!tpu.dma_semaphore, #tpu.memory_space<semaphore_mem>>) src(%dma_wait3A_89 : memref<5000xi32, #tpu.memory_space<hbm>>) dst(%arg7 : memref<5000xi32, #tpu.memory_space<vmem>>)
      %dma_wait3A_90 = arith.constant 0 : i32
      %dma_wait3A_91 = arith.constant 0 : i32
      %dma_wait3A_92 = tpu.memref_slice %arg2[%dma_wait3A_90, %dma_wait3A_91] : memref<2x6400000xi32, #tpu.memory_space<hbm>> -> memref<1x5000xi32, #tpu.memory_space<hbm>>
      %dma_wait3A_93 = tpu.memref_squeeze %dma_wait3A_92 : memref<1x5000xi32, #tpu.memory_space<hbm>> -> memref<5000xi32, #tpu.memory_space<hbm>>
      %dma_wait3A_94 = arith.constant 0 : i32
      %dma_wait3A_95 = tpu.memref_slice %arg2[%dma_wait3A_90, %dma_wait3A_94] : memref<2x6400000xi32, #tpu.memory_space<hbm>> -> memref<1x5000xi32, #tpu.memory_space<hbm>>
      %dma_wait3A_96 = tpu.memref_squeeze %dma_wait3A_95 : memref<1x5000xi32, #tpu.memory_space<hbm>> -> memref<5000xi32, #tpu.memory_space<hbm>>
      tpu.wait_dma2 semaphore(%arg28 : memref<!tpu.dma_semaphore, #tpu.memory_space<semaphore_mem>>) src(%dma_wait3A_96 : memref<5000xi32, #tpu.memory_space<hbm>>) dst(%arg11 : memref<5000xi32, #tpu.memory_space<vmem>>)
      %dma_start3A_97 = arith.constant 0 : i32
      %dma_start3A_98 = tpu.memref_slice %arg23[%dma_start3A_97] : memref<100000xf32, #tpu.memory_space<vmem_shared>> -> memref<100000xf32, #tpu.memory_space<vmem_shared>>
      tpu.enqueue_indirect_dma source(%dma_start3A_98 : memref<100000xf32, #tpu.memory_space<vmem_shared>>) target(%arg15 : memref<5000xf32, #tpu.memory_space<vmem>>) offsets(%arg7 : memref<5000xi32, #tpu.memory_space<vmem>>) semaphore(%arg27 : memref<!tpu.dma_semaphore, #tpu.memory_space<semaphore_mem>>)
      %dma_start3A_99 = arith.constant 0 : i32
      %dma_start3A_100 = tpu.memref_slice %arg24[%dma_start3A_99] : memref<100000xf32, #tpu.memory_space<vmem_shared>> -> memref<100000xf32, #tpu.memory_space<vmem_shared>>
      tpu.enqueue_indirect_dma source(%dma_start3A_100 : memref<100000xf32, #tpu.memory_space<vmem_shared>>) target(%arg19 : memref<5000xf32, #tpu.memory_space<vmem>>) offsets(%arg7 : memref<5000xi32, #tpu.memory_space<vmem>>) semaphore(%arg27 : memref<!tpu.dma_semaphore, #tpu.memory_space<semaphore_mem>>)
      %dma_wait3A_101 = arith.constant 0 : i32
      %dma_wait3A_102 = tpu.memref_slice %arg23[%dma_wait3A_101] : memref<100000xf32, #tpu.memory_space<vmem_shared>> -> memref<100000xf32, #tpu.memory_space<vmem_shared>>
      tpu.wait_indirect_dma semaphore(%arg27 : memref<!tpu.dma_semaphore, #tpu.memory_space<semaphore_mem>>) src(%dma_wait3A_102 : memref<100000xf32, #tpu.memory_space<vmem_shared>>) dst(%arg15 : memref<5000xf32, #tpu.memory_space<vmem>>)
      %dma_wait3A_103 = arith.constant 0 : i32
      %dma_wait3A_104 = tpu.memref_slice %arg24[%dma_wait3A_103] : memref<100000xf32, #tpu.memory_space<vmem_shared>> -> memref<100000xf32, #tpu.memory_space<vmem_shared>>
      tpu.wait_indirect_dma semaphore(%arg27 : memref<!tpu.dma_semaphore, #tpu.memory_space<semaphore_mem>>) src(%dma_wait3A_104 : memref<100000xf32, #tpu.memory_space<vmem_shared>>) dst(%arg19 : memref<5000xf32, #tpu.memory_space<vmem>>)
      %dma_start3A_105 = arith.constant 0 : i32
      %dma_start3A_106 = tpu.memref_slice %arg25[%dma_start3A_105] : memref<100000xf32, #tpu.memory_space<vmem_shared>> -> memref<100000xf32, #tpu.memory_space<vmem_shared>>
      tpu.enqueue_indirect_dma source(%arg15 : memref<5000xf32, #tpu.memory_space<vmem>>) target(%dma_start3A_106 : memref<100000xf32, #tpu.memory_space<vmem_shared>>) offsets(%arg11 : memref<5000xi32, #tpu.memory_space<vmem>>) semaphore(%arg32 : memref<!tpu.dma_semaphore, #tpu.memory_space<semaphore_mem>>) {add = true}
      %dma_start3A_107 = arith.constant 0 : i32
      %dma_start3A_108 = tpu.memref_slice %arg26[%dma_start3A_107] : memref<100000xf32, #tpu.memory_space<vmem_shared>> -> memref<100000xf32, #tpu.memory_space<vmem_shared>>
      tpu.enqueue_indirect_dma source(%arg19 : memref<5000xf32, #tpu.memory_space<vmem>>) target(%dma_start3A_108 : memref<100000xf32, #tpu.memory_space<vmem_shared>>) offsets(%arg11 : memref<5000xi32, #tpu.memory_space<vmem>>) semaphore(%arg32 : memref<!tpu.dma_semaphore, #tpu.memory_space<semaphore_mem>>) {add = true}
      %mul3A_109 = arith.constant 4 : i32
      %mul3A_110 = arith.muli %mul3A_109, %scan3A_59 : i32
      %add3A_111 = arith.constant 1 : i32
      %add3A_112 = arith.addi %mul3A_110, %add3A_111 : i32
      %gt3A_113 = arith.constant 0 : i32
      %gt3A_114 = arith.cmpi sgt, %scan3A_59, %gt3A_113 : i32
      %convert_element_type3A_115 = arith.extui %gt3A_114 : i1 to i32
      %cond3A_116 = arith.constant 0 : i32
      %cond3A_117 = arith.cmpi ne, %convert_element_type3A_115, %cond3A_116 : i32
      scf.if %cond3A_117 {
        %dma_wait3A_252 = arith.constant 0 : i32
        %dma_wait3A_253 = tpu.memref_slice %arg3[%dma_wait3A_252] : memref<100000xf32, #tpu.memory_space<hbm>> -> memref<5000xf32, #tpu.memory_space<hbm>>
        %dma_wait3A_254 = arith.constant 0 : i32
        %dma_wait3A_255 = tpu.memref_slice %arg3[%dma_wait3A_254] : memref<100000xf32, #tpu.memory_space<hbm>> -> memref<5000xf32, #tpu.memory_space<hbm>>
        tpu.wait_dma2 semaphore(%arg34 : memref<!tpu.dma_semaphore, #tpu.memory_space<semaphore_mem>>) src(%dma_wait3A_255 : memref<5000xf32, #tpu.memory_space<hbm>>) dst(%arg17 : memref<5000xf32, #tpu.memory_space<vmem>>)
        %dma_wait3A_256 = arith.constant 0 : i32
        %dma_wait3A_257 = tpu.memref_slice %arg3[%dma_wait3A_256] : memref<100000xf32, #tpu.memory_space<hbm>> -> memref<5000xf32, #tpu.memory_space<hbm>>
        %dma_wait3A_258 = arith.constant 0 : i32
        %dma_wait3A_259 = tpu.memref_slice %arg3[%dma_wait3A_258] : memref<100000xf32, #tpu.memory_space<hbm>> -> memref<5000xf32, #tpu.memory_space<hbm>>
        tpu.wait_dma2 semaphore(%arg34 : memref<!tpu.dma_semaphore, #tpu.memory_space<semaphore_mem>>) src(%dma_wait3A_259 : memref<5000xf32, #tpu.memory_space<hbm>>) dst(%arg21 : memref<5000xf32, #tpu.memory_space<vmem>>)
      } else {
      }
      %add3A_118 = arith.constant 1 : i32
      %add3A_119 = arith.addi %add3A_112, %add3A_118 : i32
      %mul3A_120 = arith.constant 5000 : i32
      %mul3A_121 = arith.muli %add3A_119, %mul3A_120 : i32
      %add3A_122 = arith.addi %mul3A_10, %mul3A_121 : i32
      %dma_start3A_123 = arith.constant 0 : i32
      %dma_start3A_124 = tpu.memref_slice %arg2[%dma_start3A_123, %add3A_122] : memref<2x6400000xi32, #tpu.memory_space<hbm>> -> memref<1x5000xi32, #tpu.memory_space<hbm>>
      %dma_start3A_125 = tpu.memref_squeeze %dma_start3A_124 : memref<1x5000xi32, #tpu.memory_space<hbm>> -> memref<5000xi32, #tpu.memory_space<hbm>>
      %dma_start3A_126 = tpu.memref_slice %arg2[%dma_start3A_123, %add3A_122] : memref<2x6400000xi32, #tpu.memory_space<hbm>> -> memref<1x5000xi32, #tpu.memory_space<hbm>>
      %dma_start3A_127 = tpu.memref_squeeze %dma_start3A_126 : memref<1x5000xi32, #tpu.memory_space<hbm>> -> memref<5000xi32, #tpu.memory_space<hbm>>
      tpu.enqueue_dma source(%dma_start3A_127 : memref<5000xi32, #tpu.memory_space<hbm>>) target(%arg9 : memref<5000xi32, #tpu.memory_space<vmem>>) target_semaphore(%arg30 : memref<!tpu.dma_semaphore, #tpu.memory_space<semaphore_mem>>)
      %dma_start3A_128 = arith.constant 1 : i32
      %dma_start3A_129 = tpu.memref_slice %arg2[%dma_start3A_128, %add3A_122] : memref<2x6400000xi32, #tpu.memory_space<hbm>> -> memref<1x5000xi32, #tpu.memory_space<hbm>>
      %dma_start3A_130 = tpu.memref_squeeze %dma_start3A_129 : memref<1x5000xi32, #tpu.memory_space<hbm>> -> memref<5000xi32, #tpu.memory_space<hbm>>
      %dma_start3A_131 = tpu.memref_slice %arg2[%dma_start3A_128, %add3A_122] : memref<2x6400000xi32, #tpu.memory_space<hbm>> -> memref<1x5000xi32, #tpu.memory_space<hbm>>
      %dma_start3A_132 = tpu.memref_squeeze %dma_start3A_131 : memref<1x5000xi32, #tpu.memory_space<hbm>> -> memref<5000xi32, #tpu.memory_space<hbm>>
      tpu.enqueue_dma source(%dma_start3A_132 : memref<5000xi32, #tpu.memory_space<hbm>>) target(%arg13 : memref<5000xi32, #tpu.memory_space<vmem>>) target_semaphore(%arg30 : memref<!tpu.dma_semaphore, #tpu.memory_space<semaphore_mem>>)
      %dma_wait3A_133 = arith.constant 0 : i32
      %dma_wait3A_134 = arith.constant 0 : i32
      %dma_wait3A_135 = tpu.memref_slice %arg2[%dma_wait3A_133, %dma_wait3A_134] : memref<2x6400000xi32, #tpu.memory_space<hbm>> -> memref<1x5000xi32, #tpu.memory_space<hbm>>
      %dma_wait3A_136 = tpu.memref_squeeze %dma_wait3A_135 : memref<1x5000xi32, #tpu.memory_space<hbm>> -> memref<5000xi32, #tpu.memory_space<hbm>>
      %dma_wait3A_137 = arith.constant 0 : i32
      %dma_wait3A_138 = tpu.memref_slice %arg2[%dma_wait3A_133, %dma_wait3A_137] : memref<2x6400000xi32, #tpu.memory_space<hbm>> -> memref<1x5000xi32, #tpu.memory_space<hbm>>
      %dma_wait3A_139 = tpu.memref_squeeze %dma_wait3A_138 : memref<1x5000xi32, #tpu.memory_space<hbm>> -> memref<5000xi32, #tpu.memory_space<hbm>>
      tpu.wait_dma2 semaphore(%arg29 : memref<!tpu.dma_semaphore, #tpu.memory_space<semaphore_mem>>) src(%dma_wait3A_139 : memref<5000xi32, #tpu.memory_space<hbm>>) dst(%arg8 : memref<5000xi32, #tpu.memory_space<vmem>>)
      %dma_wait3A_140 = arith.constant 0 : i32
      %dma_wait3A_141 = arith.constant 0 : i32
      %dma_wait3A_142 = tpu.memref_slice %arg2[%dma_wait3A_140, %dma_wait3A_141] : memref<2x6400000xi32, #tpu.memory_space<hbm>> -> memref<1x5000xi32, #tpu.memory_space<hbm>>
      %dma_wait3A_143 = tpu.memref_squeeze %dma_wait3A_142 : memref<1x5000xi32, #tpu.memory_space<hbm>> -> memref<5000xi32, #tpu.memory_space<hbm>>
      %dma_wait3A_144 = arith.constant 0 : i32
      %dma_wait3A_145 = tpu.memref_slice %arg2[%dma_wait3A_140, %dma_wait3A_144] : memref<2x6400000xi32, #tpu.memory_space<hbm>> -> memref<1x5000xi32, #tpu.memory_space<hbm>>
      %dma_wait3A_146 = tpu.memref_squeeze %dma_wait3A_145 : memref<1x5000xi32, #tpu.memory_space<hbm>> -> memref<5000xi32, #tpu.memory_space<hbm>>
      tpu.wait_dma2 semaphore(%arg29 : memref<!tpu.dma_semaphore, #tpu.memory_space<semaphore_mem>>) src(%dma_wait3A_146 : memref<5000xi32, #tpu.memory_space<hbm>>) dst(%arg12 : memref<5000xi32, #tpu.memory_space<vmem>>)
      %dma_start3A_147 = arith.constant 0 : i32
      %dma_start3A_148 = tpu.memref_slice %arg23[%dma_start3A_147] : memref<100000xf32, #tpu.memory_space<vmem_shared>> -> memref<100000xf32, #tpu.memory_space<vmem_shared>>
      tpu.enqueue_indirect_dma source(%dma_start3A_148 : memref<100000xf32, #tpu.memory_space<vmem_shared>>) target(%arg16 : memref<5000xf32, #tpu.memory_space<vmem>>) offsets(%arg8 : memref<5000xi32, #tpu.memory_space<vmem>>) semaphore(%arg27 : memref<!tpu.dma_semaphore, #tpu.memory_space<semaphore_mem>>)
      %dma_start3A_149 = arith.constant 0 : i32
      %dma_start3A_150 = tpu.memref_slice %arg24[%dma_start3A_149] : memref<100000xf32, #tpu.memory_space<vmem_shared>> -> memref<100000xf32, #tpu.memory_space<vmem_shared>>
      tpu.enqueue_indirect_dma source(%dma_start3A_150 : memref<100000xf32, #tpu.memory_space<vmem_shared>>) target(%arg20 : memref<5000xf32, #tpu.memory_space<vmem>>) offsets(%arg8 : memref<5000xi32, #tpu.memory_space<vmem>>) semaphore(%arg27 : memref<!tpu.dma_semaphore, #tpu.memory_space<semaphore_mem>>)
      %dma_wait3A_151 = arith.constant 0 : i32
      %dma_wait3A_152 = tpu.memref_slice %arg23[%dma_wait3A_151] : memref<100000xf32, #tpu.memory_space<vmem_shared>> -> memref<100000xf32, #tpu.memory_space<vmem_shared>>
      tpu.wait_indirect_dma semaphore(%arg27 : memref<!tpu.dma_semaphore, #tpu.memory_space<semaphore_mem>>) src(%dma_wait3A_152 : memref<100000xf32, #tpu.memory_space<vmem_shared>>) dst(%arg16 : memref<5000xf32, #tpu.memory_space<vmem>>)
      %dma_wait3A_153 = arith.constant 0 : i32
      %dma_wait3A_154 = tpu.memref_slice %arg24[%dma_wait3A_153] : memref<100000xf32, #tpu.memory_space<vmem_shared>> -> memref<100000xf32, #tpu.memory_space<vmem_shared>>
      tpu.wait_indirect_dma semaphore(%arg27 : memref<!tpu.dma_semaphore, #tpu.memory_space<semaphore_mem>>) src(%dma_wait3A_154 : memref<100000xf32, #tpu.memory_space<vmem_shared>>) dst(%arg20 : memref<5000xf32, #tpu.memory_space<vmem>>)
      %dma_start3A_155 = arith.constant 0 : i32
      %dma_start3A_156 = tpu.memref_slice %arg25[%dma_start3A_155] : memref<100000xf32, #tpu.memory_space<vmem_shared>> -> memref<100000xf32, #tpu.memory_space<vmem_shared>>
      tpu.enqueue_indirect_dma source(%arg16 : memref<5000xf32, #tpu.memory_space<vmem>>) target(%dma_start3A_156 : memref<100000xf32, #tpu.memory_space<vmem_shared>>) offsets(%arg12 : memref<5000xi32, #tpu.memory_space<vmem>>) semaphore(%arg33 : memref<!tpu.dma_semaphore, #tpu.memory_space<semaphore_mem>>) {add = true}
      %dma_start3A_157 = arith.constant 0 : i32
      %dma_start3A_158 = tpu.memref_slice %arg26[%dma_start3A_157] : memref<100000xf32, #tpu.memory_space<vmem_shared>> -> memref<100000xf32, #tpu.memory_space<vmem_shared>>
      tpu.enqueue_indirect_dma source(%arg20 : memref<5000xf32, #tpu.memory_space<vmem>>) target(%dma_start3A_158 : memref<100000xf32, #tpu.memory_space<vmem_shared>>) offsets(%arg12 : memref<5000xi32, #tpu.memory_space<vmem>>) semaphore(%arg33 : memref<!tpu.dma_semaphore, #tpu.memory_space<semaphore_mem>>) {add = true}
      %mul3A_159 = arith.constant 4 : i32
      %mul3A_160 = arith.muli %mul3A_159, %scan3A_59 : i32
      %add3A_161 = arith.constant 2 : i32
      %add3A_162 = arith.addi %mul3A_160, %add3A_161 : i32
      %gt3A_163 = arith.constant 0 : i32
      %gt3A_164 = arith.cmpi sgt, %scan3A_59, %gt3A_163 : i32
      %convert_element_type3A_165 = arith.extui %gt3A_164 : i1 to i32
      %cond3A_166 = arith.constant 0 : i32
      %cond3A_167 = arith.cmpi ne, %convert_element_type3A_165, %cond3A_166 : i32
      scf.if %cond3A_167 {
        %dma_wait3A_252 = arith.constant 0 : i32
        %dma_wait3A_253 = tpu.memref_slice %arg3[%dma_wait3A_252] : memref<100000xf32, #tpu.memory_space<hbm>> -> memref<5000xf32, #tpu.memory_space<hbm>>
        %dma_wait3A_254 = arith.constant 0 : i32
        %dma_wait3A_255 = tpu.memref_slice %arg3[%dma_wait3A_254] : memref<100000xf32, #tpu.memory_space<hbm>> -> memref<5000xf32, #tpu.memory_space<hbm>>
        tpu.wait_dma2 semaphore(%arg35 : memref<!tpu.dma_semaphore, #tpu.memory_space<semaphore_mem>>) src(%dma_wait3A_255 : memref<5000xf32, #tpu.memory_space<hbm>>) dst(%arg18 : memref<5000xf32, #tpu.memory_space<vmem>>)
        %dma_wait3A_256 = arith.constant 0 : i32
        %dma_wait3A_257 = tpu.memref_slice %arg3[%dma_wait3A_256] : memref<100000xf32, #tpu.memory_space<hbm>> -> memref<5000xf32, #tpu.memory_space<hbm>>
        %dma_wait3A_258 = arith.constant 0 : i32
        %dma_wait3A_259 = tpu.memref_slice %arg3[%dma_wait3A_258] : memref<100000xf32, #tpu.memory_space<hbm>> -> memref<5000xf32, #tpu.memory_space<hbm>>
        tpu.wait_dma2 semaphore(%arg35 : memref<!tpu.dma_semaphore, #tpu.memory_space<semaphore_mem>>) src(%dma_wait3A_259 : memref<5000xf32, #tpu.memory_space<hbm>>) dst(%arg22 : memref<5000xf32, #tpu.memory_space<vmem>>)
      } else {
      }
      %add3A_168 = arith.constant 1 : i32
      %add3A_169 = arith.addi %add3A_162, %add3A_168 : i32
      %mul3A_170 = arith.constant 5000 : i32
      %mul3A_171 = arith.muli %add3A_169, %mul3A_170 : i32
      %add3A_172 = arith.addi %mul3A_10, %mul3A_171 : i32
      %dma_start3A_173 = arith.constant 0 : i32
      %dma_start3A_174 = tpu.memref_slice %arg2[%dma_start3A_173, %add3A_172] : memref<2x6400000xi32, #tpu.memory_space<hbm>> -> memref<1x5000xi32, #tpu.memory_space<hbm>>
      %dma_start3A_175 = tpu.memref_squeeze %dma_start3A_174 : memref<1x5000xi32, #tpu.memory_space<hbm>> -> memref<5000xi32, #tpu.memory_space<hbm>>
      %dma_start3A_176 = tpu.memref_slice %arg2[%dma_start3A_173, %add3A_172] : memref<2x6400000xi32, #tpu.memory_space<hbm>> -> memref<1x5000xi32, #tpu.memory_space<hbm>>
      %dma_start3A_177 = tpu.memref_squeeze %dma_start3A_176 : memref<1x5000xi32, #tpu.memory_space<hbm>> -> memref<5000xi32, #tpu.memory_space<hbm>>
      tpu.enqueue_dma source(%dma_start3A_177 : memref<5000xi32, #tpu.memory_space<hbm>>) target(%arg10 : memref<5000xi32, #tpu.memory_space<vmem>>) target_semaphore(%arg31 : memref<!tpu.dma_semaphore, #tpu.memory_space<semaphore_mem>>)
      %dma_start3A_178 = arith.constant 1 : i32
      %dma_start3A_179 = tpu.memref_slice %arg2[%dma_start3A_178, %add3A_172] : memref<2x6400000xi32, #tpu.memory_space<hbm>> -> memref<1x5000xi32, #tpu.memory_space<hbm>>
      %dma_start3A_180 = tpu.memref_squeeze %dma_start3A_179 : memref<1x5000xi32, #tpu.memory_space<hbm>> -> memref<5000xi32, #tpu.memory_space<hbm>>
      %dma_start3A_181 = tpu.memref_slice %arg2[%dma_start3A_178, %add3A_172] : memref<2x6400000xi32, #tpu.memory_space<hbm>> -> memref<1x5000xi32, #tpu.memory_space<hbm>>
      %dma_start3A_182 = tpu.memref_squeeze %dma_start3A_181 : memref<1x5000xi32, #tpu.memory_space<hbm>> -> memref<5000xi32, #tpu.memory_space<hbm>>
      tpu.enqueue_dma source(%dma_start3A_182 : memref<5000xi32, #tpu.memory_space<hbm>>) target(%arg14 : memref<5000xi32, #tpu.memory_space<vmem>>) target_semaphore(%arg31 : memref<!tpu.dma_semaphore, #tpu.memory_space<semaphore_mem>>)
      %dma_wait3A_183 = arith.constant 0 : i32
      %dma_wait3A_184 = arith.constant 0 : i32
      %dma_wait3A_185 = tpu.memref_slice %arg2[%dma_wait3A_183, %dma_wait3A_184] : memref<2x6400000xi32, #tpu.memory_space<hbm>> -> memref<1x5000xi32, #tpu.memory_space<hbm>>
      %dma_wait3A_186 = tpu.memref_squeeze %dma_wait3A_185 : memref<1x5000xi32, #tpu.memory_space<hbm>> -> memref<5000xi32, #tpu.memory_space<hbm>>
      %dma_wait3A_187 = arith.constant 0 : i32
      %dma_wait3A_188 = tpu.memref_slice %arg2[%dma_wait3A_183, %dma_wait3A_187] : memref<2x6400000xi32, #tpu.memory_space<hbm>> -> memref<1x5000xi32, #tpu.memory_space<hbm>>
      %dma_wait3A_189 = tpu.memref_squeeze %dma_wait3A_188 : memref<1x5000xi32, #tpu.memory_space<hbm>> -> memref<5000xi32, #tpu.memory_space<hbm>>
      tpu.wait_dma2 semaphore(%arg30 : memref<!tpu.dma_semaphore, #tpu.memory_space<semaphore_mem>>) src(%dma_wait3A_189 : memref<5000xi32, #tpu.memory_space<hbm>>) dst(%arg9 : memref<5000xi32, #tpu.memory_space<vmem>>)
      %dma_wait3A_190 = arith.constant 0 : i32
      %dma_wait3A_191 = arith.constant 0 : i32
      %dma_wait3A_192 = tpu.memref_slice %arg2[%dma_wait3A_190, %dma_wait3A_191] : memref<2x6400000xi32, #tpu.memory_space<hbm>> -> memref<1x5000xi32, #tpu.memory_space<hbm>>
      %dma_wait3A_193 = tpu.memref_squeeze %dma_wait3A_192 : memref<1x5000xi32, #tpu.memory_space<hbm>> -> memref<5000xi32, #tpu.memory_space<hbm>>
      %dma_wait3A_194 = arith.constant 0 : i32
      %dma_wait3A_195 = tpu.memref_slice %arg2[%dma_wait3A_190, %dma_wait3A_194] : memref<2x6400000xi32, #tpu.memory_space<hbm>> -> memref<1x5000xi32, #tpu.memory_space<hbm>>
      %dma_wait3A_196 = tpu.memref_squeeze %dma_wait3A_195 : memref<1x5000xi32, #tpu.memory_space<hbm>> -> memref<5000xi32, #tpu.memory_space<hbm>>
      tpu.wait_dma2 semaphore(%arg30 : memref<!tpu.dma_semaphore, #tpu.memory_space<semaphore_mem>>) src(%dma_wait3A_196 : memref<5000xi32, #tpu.memory_space<hbm>>) dst(%arg13 : memref<5000xi32, #tpu.memory_space<vmem>>)
      %dma_start3A_197 = arith.constant 0 : i32
      %dma_start3A_198 = tpu.memref_slice %arg23[%dma_start3A_197] : memref<100000xf32, #tpu.memory_space<vmem_shared>> -> memref<100000xf32, #tpu.memory_space<vmem_shared>>
      tpu.enqueue_indirect_dma source(%dma_start3A_198 : memref<100000xf32, #tpu.memory_space<vmem_shared>>) target(%arg17 : memref<5000xf32, #tpu.memory_space<vmem>>) offsets(%arg9 : memref<5000xi32, #tpu.memory_space<vmem>>) semaphore(%arg27 : memref<!tpu.dma_semaphore, #tpu.memory_space<semaphore_mem>>)
      %dma_start3A_199 = arith.constant 0 : i32
      %dma_start3A_200 = tpu.memref_slice %arg24[%dma_start3A_199] : memref<100000xf32, #tpu.memory_space<vmem_shared>> -> memref<100000xf32, #tpu.memory_space<vmem_shared>>
      tpu.enqueue_indirect_dma source(%dma_start3A_200 : memref<100000xf32, #tpu.memory_space<vmem_shared>>) target(%arg21 : memref<5000xf32, #tpu.memory_space<vmem>>) offsets(%arg9 : memref<5000xi32, #tpu.memory_space<vmem>>) semaphore(%arg27 : memref<!tpu.dma_semaphore, #tpu.memory_space<semaphore_mem>>)
      %dma_wait3A_201 = arith.constant 0 : i32
      %dma_wait3A_202 = tpu.memref_slice %arg23[%dma_wait3A_201] : memref<100000xf32, #tpu.memory_space<vmem_shared>> -> memref<100000xf32, #tpu.memory_space<vmem_shared>>
      tpu.wait_indirect_dma semaphore(%arg27 : memref<!tpu.dma_semaphore, #tpu.memory_space<semaphore_mem>>) src(%dma_wait3A_202 : memref<100000xf32, #tpu.memory_space<vmem_shared>>) dst(%arg17 : memref<5000xf32, #tpu.memory_space<vmem>>)
      %dma_wait3A_203 = arith.constant 0 : i32
      %dma_wait3A_204 = tpu.memref_slice %arg24[%dma_wait3A_203] : memref<100000xf32, #tpu.memory_space<vmem_shared>> -> memref<100000xf32, #tpu.memory_space<vmem_shared>>
      tpu.wait_indirect_dma semaphore(%arg27 : memref<!tpu.dma_semaphore, #tpu.memory_space<semaphore_mem>>) src(%dma_wait3A_204 : memref<100000xf32, #tpu.memory_space<vmem_shared>>) dst(%arg21 : memref<5000xf32, #tpu.memory_space<vmem>>)
      %dma_start3A_205 = arith.constant 0 : i32
      %dma_start3A_206 = tpu.memref_slice %arg25[%dma_start3A_205] : memref<100000xf32, #tpu.memory_space<vmem_shared>> -> memref<100000xf32, #tpu.memory_space<vmem_shared>>
      tpu.enqueue_indirect_dma source(%arg17 : memref<5000xf32, #tpu.memory_space<vmem>>) target(%dma_start3A_206 : memref<100000xf32, #tpu.memory_space<vmem_shared>>) offsets(%arg13 : memref<5000xi32, #tpu.memory_space<vmem>>) semaphore(%arg34 : memref<!tpu.dma_semaphore, #tpu.memory_space<semaphore_mem>>) {add = true}
      %dma_start3A_207 = arith.constant 0 : i32
      %dma_start3A_208 = tpu.memref_slice %arg26[%dma_start3A_207] : memref<100000xf32, #tpu.memory_space<vmem_shared>> -> memref<100000xf32, #tpu.memory_space<vmem_shared>>
      tpu.enqueue_indirect_dma source(%arg21 : memref<5000xf32, #tpu.memory_space<vmem>>) target(%dma_start3A_208 : memref<100000xf32, #tpu.memory_space<vmem_shared>>) offsets(%arg13 : memref<5000xi32, #tpu.memory_space<vmem>>) semaphore(%arg34 : memref<!tpu.dma_semaphore, #tpu.memory_space<semaphore_mem>>) {add = true}
      %mul3A_209 = arith.constant 4 : i32
      %mul3A_210 = arith.muli %mul3A_209, %scan3A_59 : i32
      %add3A_211 = arith.constant 3 : i32
      %add3A_212 = arith.addi %mul3A_210, %add3A_211 : i32
      %dma_wait3A_213 = arith.constant 0 : i32
      %dma_wait3A_214 = tpu.memref_slice %arg3[%dma_wait3A_213] : memref<100000xf32, #tpu.memory_space<hbm>> -> memref<5000xf32, #tpu.memory_space<hbm>>
      %dma_wait3A_215 = arith.constant 0 : i32
      %dma_wait3A_216 = tpu.memref_slice %arg3[%dma_wait3A_215] : memref<100000xf32, #tpu.memory_space<hbm>> -> memref<5000xf32, #tpu.memory_space<hbm>>
      tpu.wait_dma2 semaphore(%arg32 : memref<!tpu.dma_semaphore, #tpu.memory_space<semaphore_mem>>) src(%dma_wait3A_216 : memref<5000xf32, #tpu.memory_space<hbm>>) dst(%arg15 : memref<5000xf32, #tpu.memory_space<vmem>>)
      %dma_wait3A_217 = arith.constant 0 : i32
      %dma_wait3A_218 = tpu.memref_slice %arg3[%dma_wait3A_217] : memref<100000xf32, #tpu.memory_space<hbm>> -> memref<5000xf32, #tpu.memory_space<hbm>>
      %dma_wait3A_219 = arith.constant 0 : i32
      %dma_wait3A_220 = tpu.memref_slice %arg3[%dma_wait3A_219] : memref<100000xf32, #tpu.memory_space<hbm>> -> memref<5000xf32, #tpu.memory_space<hbm>>
      tpu.wait_dma2 semaphore(%arg32 : memref<!tpu.dma_semaphore, #tpu.memory_space<semaphore_mem>>) src(%dma_wait3A_220 : memref<5000xf32, #tpu.memory_space<hbm>>) dst(%arg19 : memref<5000xf32, #tpu.memory_space<vmem>>)
      %lt3A_221 = arith.constant 9 : i32
      %lt3A_222 = arith.cmpi slt, %scan3A_59, %lt3A_221 : i32
      %convert_element_type3A_223 = arith.extui %lt3A_222 : i1 to i32
      %cond3A_224 = arith.constant 0 : i32
      %cond3A_225 = arith.cmpi ne, %convert_element_type3A_223, %cond3A_224 : i32
      scf.if %cond3A_225 {
        %add3A_252 = arith.constant 1 : i32
        %add3A_253 = arith.addi %add3A_212, %add3A_252 : i32
        %mul3A_254 = arith.constant 5000 : i32
        %mul3A_255 = arith.muli %add3A_253, %mul3A_254 : i32
        %add3A_256 = arith.addi %mul3A_10, %mul3A_255 : i32
        %dma_start3A_257 = arith.constant 0 : i32
        %dma_start3A_258 = tpu.memref_slice %arg2[%dma_start3A_257, %add3A_256] : memref<2x6400000xi32, #tpu.memory_space<hbm>> -> memref<1x5000xi32, #tpu.memory_space<hbm>>
        %dma_start3A_259 = tpu.memref_squeeze %dma_start3A_258 : memref<1x5000xi32, #tpu.memory_space<hbm>> -> memref<5000xi32, #tpu.memory_space<hbm>>
        %dma_start3A_260 = tpu.memref_slice %arg2[%dma_start3A_257, %add3A_256] : memref<2x6400000xi32, #tpu.memory_space<hbm>> -> memref<1x5000xi32, #tpu.memory_space<hbm>>
        %dma_start3A_261 = tpu.memref_squeeze %dma_start3A_260 : memref<1x5000xi32, #tpu.memory_space<hbm>> -> memref<5000xi32, #tpu.memory_space<hbm>>
        tpu.enqueue_dma source(%dma_start3A_261 : memref<5000xi32, #tpu.memory_space<hbm>>) target(%arg7 : memref<5000xi32, #tpu.memory_space<vmem>>) target_semaphore(%arg28 : memref<!tpu.dma_semaphore, #tpu.memory_space<semaphore_mem>>)
        %dma_start3A_262 = arith.constant 1 : i32
        %dma_start3A_263 = tpu.memref_slice %arg2[%dma_start3A_262, %add3A_256] : memref<2x6400000xi32, #tpu.memory_space<hbm>> -> memref<1x5000xi32, #tpu.memory_space<hbm>>
        %dma_start3A_264 = tpu.memref_squeeze %dma_start3A_263 : memref<1x5000xi32, #tpu.memory_space<hbm>> -> memref<5000xi32, #tpu.memory_space<hbm>>
        %dma_start3A_265 = tpu.memref_slice %arg2[%dma_start3A_262, %add3A_256] : memref<2x6400000xi32, #tpu.memory_space<hbm>> -> memref<1x5000xi32, #tpu.memory_space<hbm>>
        %dma_start3A_266 = tpu.memref_squeeze %dma_start3A_265 : memref<1x5000xi32, #tpu.memory_space<hbm>> -> memref<5000xi32, #tpu.memory_space<hbm>>
        tpu.enqueue_dma source(%dma_start3A_266 : memref<5000xi32, #tpu.memory_space<hbm>>) target(%arg11 : memref<5000xi32, #tpu.memory_space<vmem>>) target_semaphore(%arg28 : memref<!tpu.dma_semaphore, #tpu.memory_space<semaphore_mem>>)
      } else {
      }
      %dma_wait3A_226 = arith.constant 0 : i32
      %dma_wait3A_227 = arith.constant 0 : i32
      %dma_wait3A_228 = tpu.memref_slice %arg2[%dma_wait3A_226, %dma_wait3A_227] : memref<2x6400000xi32, #tpu.memory_space<hbm>> -> memref<1x5000xi32, #tpu.memory_space<hbm>>
      %dma_wait3A_229 = tpu.memref_squeeze %dma_wait3A_228 : memref<1x5000xi32, #tpu.memory_space<hbm>> -> memref<5000xi32, #tpu.memory_space<hbm>>
      %dma_wait3A_230 = arith.constant 0 : i32
      %dma_wait3A_231 = tpu.memref_slice %arg2[%dma_wait3A_226, %dma_wait3A_230] : memref<2x6400000xi32, #tpu.memory_space<hbm>> -> memref<1x5000xi32, #tpu.memory_space<hbm>>
      %dma_wait3A_232 = tpu.memref_squeeze %dma_wait3A_231 : memref<1x5000xi32, #tpu.memory_space<hbm>> -> memref<5000xi32, #tpu.memory_space<hbm>>
      tpu.wait_dma2 semaphore(%arg31 : memref<!tpu.dma_semaphore, #tpu.memory_space<semaphore_mem>>) src(%dma_wait3A_232 : memref<5000xi32, #tpu.memory_space<hbm>>) dst(%arg10 : memref<5000xi32, #tpu.memory_space<vmem>>)
      %dma_wait3A_233 = arith.constant 0 : i32
      %dma_wait3A_234 = arith.constant 0 : i32
      %dma_wait3A_235 = tpu.memref_slice %arg2[%dma_wait3A_233, %dma_wait3A_234] : memref<2x6400000xi32, #tpu.memory_space<hbm>> -> memref<1x5000xi32, #tpu.memory_space<hbm>>
      %dma_wait3A_236 = tpu.memref_squeeze %dma_wait3A_235 : memref<1x5000xi32, #tpu.memory_space<hbm>> -> memref<5000xi32, #tpu.memory_space<hbm>>
      %dma_wait3A_237 = arith.constant 0 : i32
      %dma_wait3A_238 = tpu.memref_slice %arg2[%dma_wait3A_233, %dma_wait3A_237] : memref<2x6400000xi32, #tpu.memory_space<hbm>> -> memref<1x5000xi32, #tpu.memory_space<hbm>>
      %dma_wait3A_239 = tpu.memref_squeeze %dma_wait3A_238 : memref<1x5000xi32, #tpu.memory_space<hbm>> -> memref<5000xi32, #tpu.memory_space<hbm>>
      tpu.wait_dma2 semaphore(%arg31 : memref<!tpu.dma_semaphore, #tpu.memory_space<semaphore_mem>>) src(%dma_wait3A_239 : memref<5000xi32, #tpu.memory_space<hbm>>) dst(%arg14 : memref<5000xi32, #tpu.memory_space<vmem>>)
      %dma_start3A_240 = arith.constant 0 : i32
      %dma_start3A_241 = tpu.memref_slice %arg23[%dma_start3A_240] : memref<100000xf32, #tpu.memory_space<vmem_shared>> -> memref<100000xf32, #tpu.memory_space<vmem_shared>>
      tpu.enqueue_indirect_dma source(%dma_start3A_241 : memref<100000xf32, #tpu.memory_space<vmem_shared>>) target(%arg18 : memref<5000xf32, #tpu.memory_space<vmem>>) offsets(%arg10 : memref<5000xi32, #tpu.memory_space<vmem>>) semaphore(%arg27 : memref<!tpu.dma_semaphore, #tpu.memory_space<semaphore_mem>>)
      %dma_start3A_242 = arith.constant 0 : i32
      %dma_start3A_243 = tpu.memref_slice %arg24[%dma_start3A_242] : memref<100000xf32, #tpu.memory_space<vmem_shared>> -> memref<100000xf32, #tpu.memory_space<vmem_shared>>
      tpu.enqueue_indirect_dma source(%dma_start3A_243 : memref<100000xf32, #tpu.memory_space<vmem_shared>>) target(%arg22 : memref<5000xf32, #tpu.memory_space<vmem>>) offsets(%arg10 : memref<5000xi32, #tpu.memory_space<vmem>>) semaphore(%arg27 : memref<!tpu.dma_semaphore, #tpu.memory_space<semaphore_mem>>)
      %dma_wait3A_244 = arith.constant 0 : i32
      %dma_wait3A_245 = tpu.memref_slice %arg23[%dma_wait3A_244] : memref<100000xf32, #tpu.memory_space<vmem_shared>> -> memref<100000xf32, #tpu.memory_space<vmem_shared>>
      tpu.wait_indirect_dma semaphore(%arg27 : memref<!tpu.dma_semaphore, #tpu.memory_space<semaphore_mem>>) src(%dma_wait3A_245 : memref<100000xf32, #tpu.memory_space<vmem_shared>>) dst(%arg18 : memref<5000xf32, #tpu.memory_space<vmem>>)
      %dma_wait3A_246 = arith.constant 0 : i32
      %dma_wait3A_247 = tpu.memref_slice %arg24[%dma_wait3A_246] : memref<100000xf32, #tpu.memory_space<vmem_shared>> -> memref<100000xf32, #tpu.memory_space<vmem_shared>>
      tpu.wait_indirect_dma semaphore(%arg27 : memref<!tpu.dma_semaphore, #tpu.memory_space<semaphore_mem>>) src(%dma_wait3A_247 : memref<100000xf32, #tpu.memory_space<vmem_shared>>) dst(%arg22 : memref<5000xf32, #tpu.memory_space<vmem>>)
      %dma_start3A_248 = arith.constant 0 : i32
      %dma_start3A_249 = tpu.memref_slice %arg25[%dma_start3A_248] : memref<100000xf32, #tpu.memory_space<vmem_shared>> -> memref<100000xf32, #tpu.memory_space<vmem_shared>>
      tpu.enqueue_indirect_dma source(%arg18 : memref<5000xf32, #tpu.memory_space<vmem>>) target(%dma_start3A_249 : memref<100000xf32, #tpu.memory_space<vmem_shared>>) offsets(%arg14 : memref<5000xi32, #tpu.memory_space<vmem>>) semaphore(%arg35 : memref<!tpu.dma_semaphore, #tpu.memory_space<semaphore_mem>>) {add = true}
      %dma_start3A_250 = arith.constant 0 : i32
      %dma_start3A_251 = tpu.memref_slice %arg26[%dma_start3A_250] : memref<100000xf32, #tpu.memory_space<vmem_shared>> -> memref<100000xf32, #tpu.memory_space<vmem_shared>>
      tpu.enqueue_indirect_dma source(%arg22 : memref<5000xf32, #tpu.memory_space<vmem>>) target(%dma_start3A_251 : memref<100000xf32, #tpu.memory_space<vmem_shared>>) offsets(%arg14 : memref<5000xi32, #tpu.memory_space<vmem>>) semaphore(%arg35 : memref<!tpu.dma_semaphore, #tpu.memory_space<semaphore_mem>>) {add = true}
    }
    %scan3A_24 = arith.constant 10 : i32
    %dma_wait3A = arith.constant 0 : i32
    %dma_wait3A_25 = tpu.memref_slice %arg3[%dma_wait3A] : memref<100000xf32, #tpu.memory_space<hbm>> -> memref<5000xf32, #tpu.memory_space<hbm>>
    %dma_wait3A_26 = arith.constant 0 : i32
    %dma_wait3A_27 = tpu.memref_slice %arg3[%dma_wait3A_26] : memref<100000xf32, #tpu.memory_space<hbm>> -> memref<5000xf32, #tpu.memory_space<hbm>>
    tpu.wait_dma2 semaphore(%arg33 : memref<!tpu.dma_semaphore, #tpu.memory_space<semaphore_mem>>) src(%dma_wait3A_27 : memref<5000xf32, #tpu.memory_space<hbm>>) dst(%arg16 : memref<5000xf32, #tpu.memory_space<vmem>>)
    %dma_wait3A_28 = arith.constant 0 : i32
    %dma_wait3A_29 = tpu.memref_slice %arg3[%dma_wait3A_28] : memref<100000xf32, #tpu.memory_space<hbm>> -> memref<5000xf32, #tpu.memory_space<hbm>>
    %dma_wait3A_30 = arith.constant 0 : i32
    %dma_wait3A_31 = tpu.memref_slice %arg3[%dma_wait3A_30] : memref<100000xf32, #tpu.memory_space<hbm>> -> memref<5000xf32, #tpu.memory_space<hbm>>
    tpu.wait_dma2 semaphore(%arg33 : memref<!tpu.dma_semaphore, #tpu.memory_space<semaphore_mem>>) src(%dma_wait3A_31 : memref<5000xf32, #tpu.memory_space<hbm>>) dst(%arg20 : memref<5000xf32, #tpu.memory_space<vmem>>)
    %dma_wait3A_32 = arith.constant 0 : i32
    %dma_wait3A_33 = tpu.memref_slice %arg3[%dma_wait3A_32] : memref<100000xf32, #tpu.memory_space<hbm>> -> memref<5000xf32, #tpu.memory_space<hbm>>
    %dma_wait3A_34 = arith.constant 0 : i32
    %dma_wait3A_35 = tpu.memref_slice %arg3[%dma_wait3A_34] : memref<100000xf32, #tpu.memory_space<hbm>> -> memref<5000xf32, #tpu.memory_space<hbm>>
    tpu.wait_dma2 semaphore(%arg34 : memref<!tpu.dma_semaphore, #tpu.memory_space<semaphore_mem>>) src(%dma_wait3A_35 : memref<5000xf32, #tpu.memory_space<hbm>>) dst(%arg17 : memref<5000xf32, #tpu.memory_space<vmem>>)
    %dma_wait3A_36 = arith.constant 0 : i32
    %dma_wait3A_37 = tpu.memref_slice %arg3[%dma_wait3A_36] : memref<100000xf32, #tpu.memory_space<hbm>> -> memref<5000xf32, #tpu.memory_space<hbm>>
    %dma_wait3A_38 = arith.constant 0 : i32
    %dma_wait3A_39 = tpu.memref_slice %arg3[%dma_wait3A_38] : memref<100000xf32, #tpu.memory_space<hbm>> -> memref<5000xf32, #tpu.memory_space<hbm>>
    tpu.wait_dma2 semaphore(%arg34 : memref<!tpu.dma_semaphore, #tpu.memory_space<semaphore_mem>>) src(%dma_wait3A_39 : memref<5000xf32, #tpu.memory_space<hbm>>) dst(%arg21 : memref<5000xf32, #tpu.memory_space<vmem>>)
    %dma_wait3A_40 = arith.constant 0 : i32
    %dma_wait3A_41 = tpu.memref_slice %arg3[%dma_wait3A_40] : memref<100000xf32, #tpu.memory_space<hbm>> -> memref<5000xf32, #tpu.memory_space<hbm>>
    %dma_wait3A_42 = arith.constant 0 : i32
    %dma_wait3A_43 = tpu.memref_slice %arg3[%dma_wait3A_42] : memref<100000xf32, #tpu.memory_space<hbm>> -> memref<5000xf32, #tpu.memory_space<hbm>>
    tpu.wait_dma2 semaphore(%arg35 : memref<!tpu.dma_semaphore, #tpu.memory_space<semaphore_mem>>) src(%dma_wait3A_43 : memref<5000xf32, #tpu.memory_space<hbm>>) dst(%arg18 : memref<5000xf32, #tpu.memory_space<vmem>>)
    %dma_wait3A_44 = arith.constant 0 : i32
    %dma_wait3A_45 = tpu.memref_slice %arg3[%dma_wait3A_44] : memref<100000xf32, #tpu.memory_space<hbm>> -> memref<5000xf32, #tpu.memory_space<hbm>>
    %dma_wait3A_46 = arith.constant 0 : i32
    %dma_wait3A_47 = tpu.memref_slice %arg3[%dma_wait3A_46] : memref<100000xf32, #tpu.memory_space<hbm>> -> memref<5000xf32, #tpu.memory_space<hbm>>
    tpu.wait_dma2 semaphore(%arg35 : memref<!tpu.dma_semaphore, #tpu.memory_space<semaphore_mem>>) src(%dma_wait3A_47 : memref<5000xf32, #tpu.memory_space<hbm>>) dst(%arg22 : memref<5000xf32, #tpu.memory_space<vmem>>)
    %barrier3A_48 = arith.constant 0 : index
    tpu.barrier barrier_id(%barrier3A_48)
    %lt3A_49 = arith.constant 15 : i32
    %lt3A_50 = arith.cmpi slt, %arg1, %lt3A_49 : i32
    %convert_element_type3A_51 = arith.extui %lt3A_50 : i1 to i32
    %cond3A_52 = arith.constant 0 : i32
    %cond3A_53 = arith.cmpi ne, %convert_element_type3A_51, %cond3A_52 : i32
    scf.if %cond3A_53 {
      %run_scoped3A = arith.constant 0 : i32
      "tpu.region"() ({
        %run_scoped3A_60 = tpu.sem_alloc : memref<!tpu.dma_semaphore, #tpu.memory_space<semaphore_mem>>
        %dma_start3A_61 = tpu.memref_slice %arg6[%arg0, %run_scoped3A, %mul3A_2] : memref<2x2x100000xf32, #tpu.memory_space<hbm>> -> memref<1x1x6256xf32, #tpu.memory_space<hbm>>
        %dma_start3A_62 = tpu.memref_squeeze %dma_start3A_61 : memref<1x1x6256xf32, #tpu.memory_space<hbm>> -> memref<6256xf32, #tpu.memory_space<hbm>>
        %dma_start3A_63 = tpu.memref_slice %arg25[%mul3A_2] : memref<100000xf32, #tpu.memory_space<vmem_shared>> -> memref<6256xf32, #tpu.memory_space<vmem_shared>>
        tpu.enqueue_dma source(%dma_start3A_63 : memref<6256xf32, #tpu.memory_space<vmem_shared>>) target(%dma_start3A_62 : memref<6256xf32, #tpu.memory_space<hbm>>) target_semaphore(%run_scoped3A_60 : memref<!tpu.dma_semaphore, #tpu.memory_space<semaphore_mem>>)
        %dma_wait3A_64 = tpu.memref_slice %arg6[%arg0, %run_scoped3A, %mul3A_2] : memref<2x2x100000xf32, #tpu.memory_space<hbm>> -> memref<1x1x6256xf32, #tpu.memory_space<hbm>>
        %dma_wait3A_65 = tpu.memref_squeeze %dma_wait3A_64 : memref<1x1x6256xf32, #tpu.memory_space<hbm>> -> memref<6256xf32, #tpu.memory_space<hbm>>
        %dma_wait3A_66 = tpu.memref_slice %arg25[%mul3A_2] : memref<100000xf32, #tpu.memory_space<vmem_shared>> -> memref<6256xf32, #tpu.memory_space<vmem_shared>>
        tpu.wait_dma2 semaphore(%run_scoped3A_60 : memref<!tpu.dma_semaphore, #tpu.memory_space<semaphore_mem>>) src(%dma_wait3A_66 : memref<6256xf32, #tpu.memory_space<vmem_shared>>) dst(%dma_wait3A_65 : memref<6256xf32, #tpu.memory_space<hbm>>)
        tpu.yield
      }) : () -> ()
      %run_scoped3A_59 = arith.constant 1 : i32
      "tpu.region"() ({
        %run_scoped3A_60 = tpu.sem_alloc : memref<!tpu.dma_semaphore, #tpu.memory_space<semaphore_mem>>
        %dma_start3A_61 = tpu.memref_slice %arg6[%arg0, %run_scoped3A_59, %mul3A_2] : memref<2x2x100000xf32, #tpu.memory_space<hbm>> -> memref<1x1x6256xf32, #tpu.memory_space<hbm>>
        %dma_start3A_62 = tpu.memref_squeeze %dma_start3A_61 : memref<1x1x6256xf32, #tpu.memory_space<hbm>> -> memref<6256xf32, #tpu.memory_space<hbm>>
        %dma_start3A_63 = tpu.memref_slice %arg26[%mul3A_2] : memref<100000xf32, #tpu.memory_space<vmem_shared>> -> memref<6256xf32, #tpu.memory_space<vmem_shared>>
        tpu.enqueue_dma source(%dma_start3A_63 : memref<6256xf32, #tpu.memory_space<vmem_shared>>) target(%dma_start3A_62 : memref<6256xf32, #tpu.memory_space<hbm>>) target_semaphore(%run_scoped3A_60 : memref<!tpu.dma_semaphore, #tpu.memory_space<semaphore_mem>>)
        %dma_wait3A_64 = tpu.memref_slice %arg6[%arg0, %run_scoped3A_59, %mul3A_2] : memref<2x2x100000xf32, #tpu.memory_space<hbm>> -> memref<1x1x6256xf32, #tpu.memory_space<hbm>>
        %dma_wait3A_65 = tpu.memref_squeeze %dma_wait3A_64 : memref<1x1x6256xf32, #tpu.memory_space<hbm>> -> memref<6256xf32, #tpu.memory_space<hbm>>
        %dma_wait3A_66 = tpu.memref_slice %arg26[%mul3A_2] : memref<100000xf32, #tpu.memory_space<vmem_shared>> -> memref<6256xf32, #tpu.memory_space<vmem_shared>>
        tpu.wait_dma2 semaphore(%run_scoped3A_60 : memref<!tpu.dma_semaphore, #tpu.memory_space<semaphore_mem>>) src(%dma_wait3A_66 : memref<6256xf32, #tpu.memory_space<vmem_shared>>) dst(%dma_wait3A_65 : memref<6256xf32, #tpu.memory_space<hbm>>)
        tpu.yield
      }) : () -> ()
    } else {
    }
    %eq3A_54 = arith.constant 15 : i32
    %eq3A_55 = arith.cmpi eq, %arg1, %eq3A_54 : i32
    %convert_element_type3A_56 = arith.extui %eq3A_55 : i1 to i32
    %cond3A_57 = arith.constant 0 : i32
    %cond3A_58 = arith.cmpi ne, %convert_element_type3A_56, %cond3A_57 : i32
    scf.if %cond3A_58 {
      %run_scoped3A = arith.constant 0 : i32
      "tpu.region"() ({
        %run_scoped3A_60 = tpu.sem_alloc : memref<!tpu.dma_semaphore, #tpu.memory_space<semaphore_mem>>
        %dma_start3A_61 = tpu.memref_slice %arg6[%arg0, %run_scoped3A, %mul3A_2] : memref<2x2x100000xf32, #tpu.memory_space<hbm>> -> memref<1x1x6160xf32, #tpu.memory_space<hbm>>
        %dma_start3A_62 = tpu.memref_squeeze %dma_start3A_61 : memref<1x1x6160xf32, #tpu.memory_space<hbm>> -> memref<6160xf32, #tpu.memory_space<hbm>>
        %dma_start3A_63 = tpu.memref_slice %arg25[%mul3A_2] : memref<100000xf32, #tpu.memory_space<vmem_shared>> -> memref<6160xf32, #tpu.memory_space<vmem_shared>>
        tpu.enqueue_dma source(%dma_start3A_63 : memref<6160xf32, #tpu.memory_space<vmem_shared>>) target(%dma_start3A_62 : memref<6160xf32, #tpu.memory_space<hbm>>) target_semaphore(%run_scoped3A_60 : memref<!tpu.dma_semaphore, #tpu.memory_space<semaphore_mem>>)
        %dma_wait3A_64 = tpu.memref_slice %arg6[%arg0, %run_scoped3A, %mul3A_2] : memref<2x2x100000xf32, #tpu.memory_space<hbm>> -> memref<1x1x6160xf32, #tpu.memory_space<hbm>>
        %dma_wait3A_65 = tpu.memref_squeeze %dma_wait3A_64 : memref<1x1x6160xf32, #tpu.memory_space<hbm>> -> memref<6160xf32, #tpu.memory_space<hbm>>
        %dma_wait3A_66 = tpu.memref_slice %arg25[%mul3A_2] : memref<100000xf32, #tpu.memory_space<vmem_shared>> -> memref<6160xf32, #tpu.memory_space<vmem_shared>>
        tpu.wait_dma2 semaphore(%run_scoped3A_60 : memref<!tpu.dma_semaphore, #tpu.memory_space<semaphore_mem>>) src(%dma_wait3A_66 : memref<6160xf32, #tpu.memory_space<vmem_shared>>) dst(%dma_wait3A_65 : memref<6160xf32, #tpu.memory_space<hbm>>)
        tpu.yield
      }) : () -> ()
      %run_scoped3A_59 = arith.constant 1 : i32
      "tpu.region"() ({
        %run_scoped3A_60 = tpu.sem_alloc : memref<!tpu.dma_semaphore, #tpu.memory_space<semaphore_mem>>
        %dma_start3A_61 = tpu.memref_slice %arg6[%arg0, %run_scoped3A_59, %mul3A_2] : memref<2x2x100000xf32, #tpu.memory_space<hbm>> -> memref<1x1x6160xf32, #tpu.memory_space<hbm>>
        %dma_start3A_62 = tpu.memref_squeeze %dma_start3A_61 : memref<1x1x6160xf32, #tpu.memory_space<hbm>> -> memref<6160xf32, #tpu.memory_space<hbm>>
        %dma_start3A_63 = tpu.memref_slice %arg26[%mul3A_2] : memref<100000xf32, #tpu.memory_space<vmem_shared>> -> memref<6160xf32, #tpu.memory_space<vmem_shared>>
        tpu.enqueue_dma source(%dma_start3A_63 : memref<6160xf32, #tpu.memory_space<vmem_shared>>) target(%dma_start3A_62 : memref<6160xf32, #tpu.memory_space<hbm>>) target_semaphore(%run_scoped3A_60 : memref<!tpu.dma_semaphore, #tpu.memory_space<semaphore_mem>>)
        %dma_wait3A_64 = tpu.memref_slice %arg6[%arg0, %run_scoped3A_59, %mul3A_2] : memref<2x2x100000xf32, #tpu.memory_space<hbm>> -> memref<1x1x6160xf32, #tpu.memory_space<hbm>>
        %dma_wait3A_65 = tpu.memref_squeeze %dma_wait3A_64 : memref<1x1x6160xf32, #tpu.memory_space<hbm>> -> memref<6160xf32, #tpu.memory_space<hbm>>
        %dma_wait3A_66 = tpu.memref_slice %arg26[%mul3A_2] : memref<100000xf32, #tpu.memory_space<vmem_shared>> -> memref<6160xf32, #tpu.memory_space<vmem_shared>>
        tpu.wait_dma2 semaphore(%run_scoped3A_60 : memref<!tpu.dma_semaphore, #tpu.memory_space<semaphore_mem>>) src(%dma_wait3A_66 : memref<6160xf32, #tpu.memory_space<vmem_shared>>) dst(%dma_wait3A_65 : memref<6160xf32, #tpu.memory_space<hbm>>)
        tpu.yield
      }) : () -> ()
    } else {
    }
    return
  }
}

module attributes {stable_mosaic.version = 14 : i64} {
  func.func @_tc_body(%arg0: i32, %arg1: memref<2x2048xf32, #tpu.memory_space<vmem>>, %arg2: memref<4x2048xf32, #tpu.memory_space<vmem>>, %arg3: memref<128x2xf32, #tpu.memory_space<vmem>>, %arg4: memref<128x1xf32, #tpu.memory_space<vmem>>, %arg5: memref<128x128xf32, #tpu.memory_space<vmem>>, %arg6: memref<128x1xf32, #tpu.memory_space<vmem>>, %arg7: memref<128x128xf32, #tpu.memory_space<vmem>>, %arg8: memref<128x1xf32, #tpu.memory_space<vmem>>, %arg9: memref<32x128xf32, #tpu.memory_space<vmem>>, %arg10: memref<32x1xf32, #tpu.memory_space<vmem>>, %arg11: memref<32x1xf32, #tpu.memory_space<vmem>>, %arg12: memref<1x1xf32, #tpu.memory_space<vmem>>, %arg13: memref<1x1xf32, #tpu.memory_space<vmem>>, %arg14: memref<128x1xf32, #tpu.memory_space<vmem>>) attributes {dimension_semantics = [#tpu.dimension_semantics<arbitrary>], iteration_bounds = array<i64: 49>, scalar_prefetch = 0 : i64, scratch_operands = 1 : i64, tpu.core_type = #tpu.core_type<tc>, window_params = [{transform_indices = @transform_0, window_bounds = array<i64: 2, 2048>}, {transform_indices = @transform_1, window_bounds = array<i64: 4, 2048>}, {pipeline_mode = #tpu.pipeline_mode<synchronous>, transform_indices = @transform_2, window_bounds = array<i64: 128, 2>}, {pipeline_mode = #tpu.pipeline_mode<synchronous>, transform_indices = @transform_3, window_bounds = array<i64: 128, 1>}, {pipeline_mode = #tpu.pipeline_mode<synchronous>, transform_indices = @transform_4, window_bounds = array<i64: 128, 128>}, {pipeline_mode = #tpu.pipeline_mode<synchronous>, transform_indices = @transform_5, window_bounds = array<i64: 128, 1>}, {pipeline_mode = #tpu.pipeline_mode<synchronous>, transform_indices = @transform_6, window_bounds = array<i64: 128, 128>}, {pipeline_mode = #tpu.pipeline_mode<synchronous>, transform_indices = @transform_7, window_bounds = array<i64: 128, 1>}, {pipeline_mode = #tpu.pipeline_mode<synchronous>, transform_indices = @transform_8, window_bounds = array<i64: 32, 128>}, {pipeline_mode = #tpu.pipeline_mode<synchronous>, transform_indices = @transform_9, window_bounds = array<i64: 32, 1>}, {pipeline_mode = #tpu.pipeline_mode<synchronous>, transform_indices = @transform_10, window_bounds = array<i64: 32, 1>}, {pipeline_mode = #tpu.pipeline_mode<synchronous>, transform_indices = @transform_11, window_bounds = array<i64: 1, 1>}, {pipeline_mode = #tpu.pipeline_mode<synchronous>, transform_indices = @transform_12, window_bounds = array<i64: 1, 1>}]} {
    %get3A = arith.constant 0 : index
    %get3A_0 = arith.constant 0 : index
    %get3A_1 = vector.load %arg2[%get3A, %get3A_0] : memref<4x2048xf32, #tpu.memory_space<vmem>>, vector<4x2048xf32>
    %get3A_2 = arith.constant 0 : index
    %get3A_3 = arith.constant 0 : index
    %get3A_4 = vector.load %arg1[%get3A_2, %get3A_3] : memref<2x2048xf32, #tpu.memory_space<vmem>>, vector<1x2048xf32>
    %slice3A = vector.extract_strided_slice %get3A_1 {offsets = [0, 0], sizes = [1, 2048], strides = [1, 1]} : vector<4x2048xf32> to vector<1x2048xf32>
    %add3A = arith.addf %get3A_4, %slice3A : vector<1x2048xf32>
    %slice3A_5 = vector.extract_strided_slice %get3A_1 {offsets = [2, 0], sizes = [1, 2048], strides = [1, 1]} : vector<4x2048xf32> to vector<1x2048xf32>
    %add3A_6 = arith.addf %add3A, %slice3A_5 : vector<1x2048xf32>
    %get3A_7 = arith.constant 1 : index
    %get3A_8 = arith.constant 0 : index
    %get3A_9 = vector.load %arg1[%get3A_7, %get3A_8] : memref<2x2048xf32, #tpu.memory_space<vmem>>, vector<1x2048xf32>
    %slice3A_10 = vector.extract_strided_slice %get3A_1 {offsets = [1, 0], sizes = [1, 2048], strides = [1, 1]} : vector<4x2048xf32> to vector<1x2048xf32>
    %add3A_11 = arith.addf %get3A_9, %slice3A_10 : vector<1x2048xf32>
    %slice3A_12 = vector.extract_strided_slice %get3A_1 {offsets = [3, 0], sizes = [1, 2048], strides = [1, 1]} : vector<4x2048xf32> to vector<1x2048xf32>
    %add3A_13 = arith.addf %add3A_11, %slice3A_12 : vector<1x2048xf32>
    %get3A_14 = arith.constant 0 : index
    %get3A_15 = arith.constant 0 : index
    %get3A_16 = vector.load %arg3[%get3A_14, %get3A_15] : memref<128x2xf32, #tpu.memory_space<vmem>>, vector<128x2xf32>
    %slice3A_17 = vector.extract_strided_slice %get3A_16 {offsets = [0, 0], sizes = [128, 1], strides = [1, 1]} : vector<128x2xf32> to vector<128x1xf32>
    %mul3A = vector.broadcast %slice3A_17 : vector<128x1xf32> to vector<128x2048xf32>
    %mul3A_18 = vector.broadcast %add3A_6 : vector<1x2048xf32> to vector<128x2048xf32>
    %mul3A_19 = arith.mulf %mul3A, %mul3A_18 : vector<128x2048xf32>
    %slice3A_20 = vector.extract_strided_slice %get3A_16 {offsets = [0, 1], sizes = [128, 1], strides = [1, 1]} : vector<128x2xf32> to vector<128x1xf32>
    %mul3A_21 = vector.broadcast %slice3A_20 : vector<128x1xf32> to vector<128x2048xf32>
    %mul3A_22 = vector.broadcast %add3A_13 : vector<1x2048xf32> to vector<128x2048xf32>
    %mul3A_23 = arith.mulf %mul3A_21, %mul3A_22 : vector<128x2048xf32>
    %add3A_24 = arith.addf %mul3A_19, %mul3A_23 : vector<128x2048xf32>
    %get3A_25 = arith.constant 0 : index
    %get3A_26 = arith.constant 0 : index
    %get3A_27 = vector.load %arg4[%get3A_25, %get3A_26] : memref<128x1xf32, #tpu.memory_space<vmem>>, vector<128x1xf32>
    %add3A_28 = vector.broadcast %get3A_27 : vector<128x1xf32> to vector<128x2048xf32>
    %add3A_29 = arith.addf %add3A_24, %add3A_28 : vector<128x2048xf32>
    %tanh3A = math.tanh %add3A_29 : vector<128x2048xf32>
    %get3A_30 = arith.constant 0 : index
    %get3A_31 = arith.constant 0 : index
    %get3A_32 = vector.load %arg5[%get3A_30, %get3A_31] : memref<128x128xf32, #tpu.memory_space<vmem>>, vector<128x128xf32>
    %dot_general3A = arith.constant dense<0.000000e+00> : vector<128x2048xf32>
    %dot_general3A_33 = tpu.matmul %get3A_32, %tanh3A, %dot_general3A {dimension_numbers = #tpu.dot_dimension_numbers<[1], [0], [0], [1], [0, 0, 1, 1], [], []>, transpose_lhs_hint = false} : vector<128x128xf32>, vector<128x2048xf32>, vector<128x2048xf32> -> vector<128x2048xf32>
    %get3A_34 = arith.constant 0 : index
    %get3A_35 = arith.constant 0 : index
    %get3A_36 = vector.load %arg6[%get3A_34, %get3A_35] : memref<128x1xf32, #tpu.memory_space<vmem>>, vector<128x1xf32>
    %add3A_37 = vector.broadcast %get3A_36 : vector<128x1xf32> to vector<128x2048xf32>
    %add3A_38 = arith.addf %dot_general3A_33, %add3A_37 : vector<128x2048xf32>
    %tanh3A_39 = math.tanh %add3A_38 : vector<128x2048xf32>
    %iota3A = tpu.iota {dimensions = array<i32: 1>} : vector<128x2048xi32>
    %mul3A_40 = arith.constant 2048 : i32
    %mul3A_41 = arith.muli %arg0, %mul3A_40 : i32
    %add3A_42 = vector.broadcast %mul3A_41 : i32 to vector<128x2048xi32>
    %add3A_43 = arith.addi %iota3A, %add3A_42 : vector<128x2048xi32>
    %lt3A = arith.constant 100000 : i32
    %lt3A_44 = vector.broadcast %lt3A : i32 to vector<128x2048xi32>
    %lt3A_45 = arith.cmpi slt, %add3A_43, %lt3A_44 : vector<128x2048xi32>
    %jit3A = arith.constant -2.000000e+00 : f32
    %broadcast_in_dim3A = vector.broadcast %jit3A : f32 to vector<128x2048xf32>
    %select_n3A = arith.select %lt3A_45, %tanh3A_39, %broadcast_in_dim3A : vector<128x2048xi1>, vector<128x2048xf32>
    %reduce_max3A = arith.constant dense<0xFF800000> : vector<128xf32>
    %reduce_max3A_46 = vector.multi_reduction <maximumf>, %select_n3A, %reduce_max3A [1] : vector<128x2048xf32> to vector<128xf32>
    %broadcast_in_dim3A_47 = vector.shape_cast %reduce_max3A_46 : vector<128xf32> to vector<128x1xf32>
    %eq3A = arith.constant 0 : i32
    %eq3A_48 = arith.cmpi eq, %arg0, %eq3A : i32
    %convert_element_type3A = arith.extui %eq3A_48 : i1 to i32
    %cond3A = arith.constant 0 : i32
    %cond3A_49 = arith.cmpi ne, %convert_element_type3A, %cond3A : i32
    scf.if %cond3A_49 {
      %swap3A = arith.constant 0 : index
      %swap3A_59 = arith.constant 0 : index
      %swap3A_60 = vector.load %arg14[%swap3A, %swap3A_59] : memref<128x1xf32, #tpu.memory_space<vmem>>, vector<128x1xf32>
      tpu.vector_store %arg14[%swap3A, %swap3A_59], %broadcast_in_dim3A_47 {strides = array<i32>} : memref<128x1xf32, #tpu.memory_space<vmem>>, vector<128x1xf32>,
    } else {
    }
    %gt3A = arith.constant 0 : i32
    %gt3A_50 = arith.cmpi sgt, %arg0, %gt3A : i32
    %convert_element_type3A_51 = arith.extui %gt3A_50 : i1 to i32
    %cond3A_52 = arith.constant 0 : i32
    %cond3A_53 = arith.cmpi ne, %convert_element_type3A_51, %cond3A_52 : i32
    scf.if %cond3A_53 {
      %get3A_59 = arith.constant 0 : index
      %get3A_60 = arith.constant 0 : index
      %get3A_61 = vector.load %arg14[%get3A_59, %get3A_60] : memref<128x1xf32, #tpu.memory_space<vmem>>, vector<128x1xf32>
      %max3A = arith.maximumf %get3A_61, %broadcast_in_dim3A_47 : vector<128x1xf32>
      %swap3A = arith.constant 0 : index
      %swap3A_62 = arith.constant 0 : index
      %swap3A_63 = vector.load %arg14[%swap3A, %swap3A_62] : memref<128x1xf32, #tpu.memory_space<vmem>>, vector<128x1xf32>
      tpu.vector_store %arg14[%swap3A, %swap3A_62], %max3A {strides = array<i32>} : memref<128x1xf32, #tpu.memory_space<vmem>>, vector<128x1xf32>,
    } else {
    }
    %eq3A_54 = arith.constant 48 : i32
    %eq3A_55 = arith.cmpi eq, %arg0, %eq3A_54 : i32
    %convert_element_type3A_56 = arith.extui %eq3A_55 : i1 to i32
    %cond3A_57 = arith.constant 0 : i32
    %cond3A_58 = arith.cmpi ne, %convert_element_type3A_56, %cond3A_57 : i32
    scf.if %cond3A_58 {
      %get3A_59 = arith.constant 0 : index
      %get3A_60 = arith.constant 0 : index
      %get3A_61 = vector.load %arg14[%get3A_59, %get3A_60] : memref<128x1xf32, #tpu.memory_space<vmem>>, vector<128x1xf32>
      %get3A_62 = arith.constant 0 : index
      %get3A_63 = arith.constant 0 : index
      %get3A_64 = vector.load %arg7[%get3A_62, %get3A_63] : memref<128x128xf32, #tpu.memory_space<vmem>>, vector<128x128xf32>
      %dot_general3A_65 = arith.constant dense<0.000000e+00> : vector<128x1xf32>
      %dot_general3A_66 = tpu.matmul %get3A_64, %get3A_61, %dot_general3A_65 {dimension_numbers = #tpu.dot_dimension_numbers<[1], [0], [0], [1], [0, 0, 1, 1], [], []>, transpose_lhs_hint = false} : vector<128x128xf32>, vector<128x1xf32>, vector<128x1xf32> -> vector<128x1xf32>
      %get3A_67 = arith.constant 0 : index
      %get3A_68 = arith.constant 0 : index
      %get3A_69 = vector.load %arg8[%get3A_67, %get3A_68] : memref<128x1xf32, #tpu.memory_space<vmem>>, vector<128x1xf32>
      %add3A_70 = arith.addf %dot_general3A_66, %get3A_69 : vector<128x1xf32>
      %gt3A_71 = arith.constant 0.000000e+00 : f32
      %gt3A_72 = vector.broadcast %gt3A_71 : f32 to vector<128x1xf32>
      %gt3A_73 = arith.cmpf ogt, %add3A_70, %gt3A_72 : vector<128x1xf32>
      %exp3A = math.exp %add3A_70 : vector<128x1xf32>
      %sub3A = arith.constant 1.000000e+00 : f32
      %sub3A_74 = vector.broadcast %sub3A : f32 to vector<128x1xf32>
      %sub3A_75 = arith.subf %exp3A, %sub3A_74 : vector<128x1xf32>
      %select_n3A_76 = arith.select %gt3A_73, %add3A_70, %sub3A_75 : vector<128x1xi1>, vector<128x1xf32>
      %get3A_77 = arith.constant 0 : index
      %get3A_78 = arith.constant 0 : index
      %get3A_79 = vector.load %arg9[%get3A_77, %get3A_78] : memref<32x128xf32, #tpu.memory_space<vmem>>, vector<32x128xf32>
      %dot_general3A_80 = arith.constant dense<0.000000e+00> : vector<32x1xf32>
      %dot_general3A_81 = tpu.matmul %get3A_79, %select_n3A_76, %dot_general3A_80 {dimension_numbers = #tpu.dot_dimension_numbers<[1], [0], [0], [1], [0, 0, 1, 1], [], []>, transpose_lhs_hint = false} : vector<32x128xf32>, vector<128x1xf32>, vector<32x1xf32> -> vector<32x1xf32>
      %get3A_82 = arith.constant 0 : index
      %get3A_83 = arith.constant 0 : index
      %get3A_84 = vector.load %arg10[%get3A_82, %get3A_83] : memref<32x1xf32, #tpu.memory_space<vmem>>, vector<32x1xf32>
      %add3A_85 = arith.addf %dot_general3A_81, %get3A_84 : vector<32x1xf32>
      %gt3A_86 = arith.constant 0.000000e+00 : f32
      %gt3A_87 = vector.broadcast %gt3A_86 : f32 to vector<32x1xf32>
      %gt3A_88 = arith.cmpf ogt, %add3A_85, %gt3A_87 : vector<32x1xf32>
      %exp3A_89 = math.exp %add3A_85 : vector<32x1xf32>
      %sub3A_90 = arith.constant 1.000000e+00 : f32
      %sub3A_91 = vector.broadcast %sub3A_90 : f32 to vector<32x1xf32>
      %sub3A_92 = arith.subf %exp3A_89, %sub3A_91 : vector<32x1xf32>
      %select_n3A_93 = arith.select %gt3A_88, %add3A_85, %sub3A_92 : vector<32x1xi1>, vector<32x1xf32>
      %get3A_94 = arith.constant 0 : index
      %get3A_95 = arith.constant 0 : index
      %get3A_96 = vector.load %arg11[%get3A_94, %get3A_95] : memref<32x1xf32, #tpu.memory_space<vmem>>, vector<32x1xf32>
      %mul3A_97 = arith.mulf %select_n3A_93, %get3A_96 : vector<32x1xf32>
      %reduce_sum3A = arith.constant dense<0.000000e+00> : vector<1xf32>
      %reduce_sum3A_98 = vector.multi_reduction <add>, %mul3A_97, %reduce_sum3A [0] : vector<32x1xf32> to vector<1xf32>
      %broadcast_in_dim3A_99 = vector.shape_cast %reduce_sum3A_98 : vector<1xf32> to vector<1x1xf32>
      %get3A_100 = arith.constant 0 : index
      %get3A_101 = arith.constant 0 : index
      %get3A_102 = vector.load %arg12[%get3A_100, %get3A_101] : memref<1x1xf32, #tpu.memory_space<vmem>>, vector<1x1xf32>
      %add3A_103 = arith.addf %broadcast_in_dim3A_99, %get3A_102 : vector<1x1xf32>
      %swap3A = arith.constant 0 : index
      %swap3A_104 = arith.constant 0 : index
      %swap3A_105 = vector.load %arg13[%swap3A, %swap3A_104] : memref<1x1xf32, #tpu.memory_space<vmem>>, vector<1x1xf32>
      tpu.vector_store %arg13[%swap3A, %swap3A_104], %add3A_103 {strides = array<i32>} : memref<1x1xf32, #tpu.memory_space<vmem>>, vector<1x1xf32>,
    } else {
    }
    return
  }
  func.func @transform_0(%arg0: i32) -> (i32, i32) {
    %c0_i32 = arith.constant 0 : i32
    %c0_i32_0 = arith.constant 0 : i32
    return %c0_i32, %arg0 : i32, i32
  }
  func.func @transform_1(%arg0: i32) -> (i32, i32) {
    %c0_i32 = arith.constant 0 : i32
    %c0_i32_0 = arith.constant 0 : i32
    return %c0_i32, %arg0 : i32, i32
  }
  func.func @transform_2(%arg0: i32) -> (i32, i32) {
    %c0_i32 = arith.constant 0 : i32
    %c0_i32_0 = arith.constant 0 : i32
    %c0_i32_1 = arith.constant 0 : i32
    return %c0_i32, %c0_i32_0 : i32, i32
  }
  func.func @transform_3(%arg0: i32) -> (i32, i32) {
    %c0_i32 = arith.constant 0 : i32
    %c0_i32_0 = arith.constant 0 : i32
    %c0_i32_1 = arith.constant 0 : i32
    return %c0_i32, %c0_i32_0 : i32, i32
  }
  func.func @transform_4(%arg0: i32) -> (i32, i32) {
    %c0_i32 = arith.constant 0 : i32
    %c0_i32_0 = arith.constant 0 : i32
    %c0_i32_1 = arith.constant 0 : i32
    return %c0_i32, %c0_i32_0 : i32, i32
  }
  func.func @transform_5(%arg0: i32) -> (i32, i32) {
    %c0_i32 = arith.constant 0 : i32
    %c0_i32_0 = arith.constant 0 : i32
    %c0_i32_1 = arith.constant 0 : i32
    return %c0_i32, %c0_i32_0 : i32, i32
  }
  func.func @transform_6(%arg0: i32) -> (i32, i32) {
    %c0_i32 = arith.constant 0 : i32
    %c0_i32_0 = arith.constant 0 : i32
    %c0_i32_1 = arith.constant 0 : i32
    return %c0_i32, %c0_i32_0 : i32, i32
  }
  func.func @transform_7(%arg0: i32) -> (i32, i32) {
    %c0_i32 = arith.constant 0 : i32
    %c0_i32_0 = arith.constant 0 : i32
    %c0_i32_1 = arith.constant 0 : i32
    return %c0_i32, %c0_i32_0 : i32, i32
  }
  func.func @transform_8(%arg0: i32) -> (i32, i32) {
    %c0_i32 = arith.constant 0 : i32
    %c0_i32_0 = arith.constant 0 : i32
    %c0_i32_1 = arith.constant 0 : i32
    return %c0_i32, %c0_i32_0 : i32, i32
  }
  func.func @transform_9(%arg0: i32) -> (i32, i32) {
    %c0_i32 = arith.constant 0 : i32
    %c0_i32_0 = arith.constant 0 : i32
    %c0_i32_1 = arith.constant 0 : i32
    return %c0_i32, %c0_i32_0 : i32, i32
  }
  func.func @transform_10(%arg0: i32) -> (i32, i32) {
    %c0_i32 = arith.constant 0 : i32
    %c0_i32_0 = arith.constant 0 : i32
    %c0_i32_1 = arith.constant 0 : i32
    return %c0_i32, %c0_i32_0 : i32, i32
  }
  func.func @transform_11(%arg0: i32) -> (i32, i32) {
    %c0_i32 = arith.constant 0 : i32
    %c0_i32_0 = arith.constant 0 : i32
    %c0_i32_1 = arith.constant 0 : i32
    return %c0_i32, %c0_i32_0 : i32, i32
  }
  func.func @transform_12(%arg0: i32) -> (i32, i32) {
    %c0_i32 = arith.constant 0 : i32
    %c0_i32_0 = arith.constant 0 : i32
    %c0_i32_1 = arith.constant 0 : i32
    return %c0_i32, %c0_i32_0 : i32, i32
  }
}

</mosaic_0001>

<sc_bundles>
// kernel: kernel.4.cloned.1.call-start
scs
__scs_entry_jumppad:
0x0: {  	(pc) =	sbr.rel $0x88, $3  }
0x1: {  	(tag) =	ssettag $0x0;
	lr =	simm.s32 $0x1  }
0x2: {  	[smem:$0x3F95] =	sst lr;
	_ =	strace $0xD0000000  }
0x3: {  	_ = 	snop  }
0x4: {  	_ = 	snop  }
0x5: {  	_ = 	snop  }
0x6: {  	_ = 	snop  }
0x7: {  	_ = 	snop  }
__scs_overlays_trampoline_lowered:
0x8: {  	[smem:$0x3FA4] =	sst s0  }
0x9: {  	[smem:$0x3FA5] =	sst s1  }
0xa: {  	[smem:$0x3FA6] =	sst s2  }
0xb: {  	[smem:$0x3FA7] =	sst s3  }
0xc: {  	[smem:$0x3FA8] =	sst s4  }
0xd: {  	[smem:$0x3FA9] =	sst s5  }
0xe: {  	[smem:$0x3FAA] =	sst s6  }
0xf: {  	[smem:$0x3FAB] =	sst s7  }
0x10: {  	[smem:$0x3FAC] =	sst s8  }
0x11: {  	[smem:$0x3FAD] =	sst s9;
	s0 =	simm.s32 @!p0 $0x0  }
0x12: {  	s1 =	sld [smem:$0x3F93];
	s0 =	simm.s32 @p0 $0x1  }
0x13: {  	[smem:$0x3FAE] =	sst s0;
	s0 =	simm.s32 @!p1 $0x0  }
0x14: {  	s2 =	sld [smem:$0x3F92];
	s0 =	simm.s32 @p1 $0x1  }
0x15: {  	[smem:$0x3FAF] =	sst s0;
	s0 =	simm.s32 @!p2 $0x0  }
0x16: {  	s3 =	sld [smem:$0x3FDB];
	s0 =	simm.s32 @p2 $0x1  }
0x17: {  	s4 =	simm.s32 $0x1BF5;
	[smem:$0x3FB1] =	sst s0  }
0x18: {  	s0 =	sld [smem:$0x3F94];
	_ =	swait.ge [sflag:s4], $0x0  }
0x19: {  	s7 =	sld [smem:$0x3F95]  }
0x1a: {  	s8 =	sadd.s32 $0xFFFFE003, lr  }
0x1b: {  	s9 =	sadd.s32 $0xFFFFFEF7, lr;
	s5 =	simm.s32 $0xFFFFFFFF;
	p2 =	slt.u32 s8, $0xFFFFF086  }
0x1c: {  	p1 =	slt.u32 s9, $0xF7A;
	s5 =	simm.s32 @!p2 $0x0  }
0x1d: {  	s5 =	simm.s32 @p1 $0x1;
	p0 =	seq.s32 s7, s2  }
0x1e: {  	s7 =	smul.u32 @!p0 $0xF7A, s2;
	p2 =	seq.s32 @!p0 s5, $0x0  }
0x1f: {  	s9 =	smul.u32 $0xF7A, s1;
	s8 =	simm.s32 @!p0 $0x1BF5;
	p2 =	por !p2, p0  }
0x20: {  	[sflag:s8] =	ssyncset.s32 @!p0 $0xFFFFF086;
	s6 =	sadd.s32 @!p0 s3, s7;
	s7 =	simm.s32 @!p0 $0x108  }
0x21: {  	s3 =	sadd.s32 s3, s9;
	s6 =	sadd.s32 @!p0 $0x88, s6;
	s7 =	simm.s32 @p2 $0x1082  }
0x22: {  	[simem:s7], [sflag:s8] =	dma.local @!p0 [hbm:s6], $0xF7A  }
0x23: {  	s9 =	sor.u32 $0xD0000000, s2;
	s6 =	simm.s32 $0x108;
	_ =	swait.ge @!p0 [sflag:s8], $0x0  }
0x24: {  	s3 =	sadd.s32 $0x88, s3;
	s6 =	simm.s32 @!p1 $0x1082;
	[sflag:s4] =	ssyncset.s32 $0xFFFFF086  }
0x25: {  	[simem:s6], [sflag:s4] =	dma.local [hbm:s3], $0xF7A  }
0x26: {  	[smem:$0x3F95] =	sst s1;
	(tag) =	ssettag s2;
	_ =	strace s9  }
0x27: {  	s1 =	sld [smem:$0x3FA5]  }
0x28: {  	s2 =	sld [smem:$0x3FA6]  }
0x29: {  	s4 =	sld [smem:$0x3FA8]  }
0x2a: {  	p0 =	seq.s32 s5, $0x0;
	s5 =	sld [smem:$0x3FA9]  }
0x2b: {  	s6 =	sld [smem:$0x3FAA]  }
0x2c: {  	s7 =	sld [smem:$0x3FAB]  }
0x2d: {  	s3 =	simm.s32 $0x108;
	s8 =	sld [smem:$0x3FAC]  }
0x2e: {  	s3 =	simm.s32 @!p0 $0x1082;
	s9 =	sld [smem:$0x3FAD]  }
0x2f: {  	lr =	sadd.s32 s0, s3;
	s0 =	sld [smem:$0x3FA4]  }
0x30: {  	s3 =	sld [smem:$0x3FA7]  }
0x31: {  	[smem:$0x3FB0] =	sst s10  }
0x32: {  	s10 =	sld [smem:$0x3FAE];
	_ =	sdelay $0x3  }
0x33: {  	p0 =	seq.s32 s10, $0x1;
	s10 =	sld [smem:$0x3FB0];
	_ =	sdelay $0x3  }
0x34: {  	[smem:$0x3FB0] =	sst s10  }
0x35: {  	s10 =	sld [smem:$0x3FAF];
	_ =	sdelay $0x3  }
0x36: {  	p1 =	seq.s32 s10, $0x1;
	s10 =	sld [smem:$0x3FB0];
	_ =	sdelay $0x3  }
0x37: {  	[smem:$0x3FB0] =	sst s10  }
0x38: {  	s10 =	sld [smem:$0x3FB1]  }
0x39: {  	_ = 	snop;
	(pc) =	sbr.ind lr, $3  }
0x3a: {  	_ = 	snop  }
0x3b: {  	_ = 	snop  }
0x3c: {  	p2 =	seq.s32 s10, $0x1;
	s10 =	sld [smem:$0x3FB0]  }
0x3d: {  	_ =	shalt  }
0x3e: {  	_ =	shalt  }
0x3f: {  	_ =	shalt  }
0x40: {  	_ =	shalt  }
0x41: {  	_ =	shalt  }
0x42: {  	_ =	shalt  }
0x43: {  	_ =	shalt  }
0x44: {  	_ =	shalt  }
0x45: {  	_ =	shalt  }
0x46: {  	_ =	shalt  }
0x47: {  	_ =	shalt  }
0x48: {  	_ =	shalt  }
0x49: {  	_ =	shalt  }
0x4a: {  	_ =	shalt  }
0x4b: {  	_ =	shalt  }
0x4c: {  	_ =	shalt  }
0x4d: {  	_ =	shalt  }
0x4e: {  	_ =	shalt  }
0x4f: {  	_ =	shalt  }
0x50: {  	_ =	shalt  }
0x51: {  	_ =	shalt  }
0x52: {  	_ =	shalt  }
0x53: {  	_ =	shalt  }
0x54: {  	_ =	shalt  }
0x55: {  	_ =	shalt  }
0x56: {  	_ =	shalt  }
0x57: {  	_ =	shalt  }
0x58: {  	_ =	shalt  }
0x59: {  	_ =	shalt  }
0x5a: {  	_ =	shalt  }
0x5b: {  	_ =	shalt  }
0x5c: {  	_ =	shalt  }
0x5d: {  	_ =	shalt  }
0x5e: {  	_ =	shalt  }
0x5f: {  	_ =	shalt  }
0x60: {  	_ =	shalt  }
0x61: {  	_ =	shalt  }
0x62: {  	_ =	shalt  }
0x63: {  	_ =	shalt  }
0x64: {  	_ =	shalt  }
0x65: {  	_ =	shalt  }
0x66: {  	_ =	shalt  }
0x67: {  	_ =	shalt  }
0x68: {  	_ =	shalt  }
0x69: {  	_ =	shalt  }
0x6a: {  	_ =	shalt  }
0x6b: {  	_ =	shalt  }
0x6c: {  	_ =	shalt  }
0x6d: {  	_ =	shalt  }
0x6e: {  	_ =	shalt  }
0x6f: {  	_ =	shalt  }
0x70: {  	_ =	shalt  }
0x71: {  	_ =	shalt  }
0x72: {  	_ =	shalt  }
0x73: {  	_ =	shalt  }
0x74: {  	_ =	shalt  }
0x75: {  	_ =	shalt  }
0x76: {  	_ =	shalt  }
0x77: {  	_ =	shalt  }
0x78: {  	_ =	shalt  }
0x79: {  	_ =	shalt  }
0x7a: {  	_ =	shalt  }
0x7b: {  	_ =	shalt  }
0x7c: {  	_ =	shalt  }
0x7d: {  	_ =	shalt  }
0x7e: {  	_ =	shalt  }
0x7f: {  	_ =	shalt  }
0x80: {  	_ =	shalt  }
0x81: {  	_ =	shalt  }
0x82: {  	_ =	shalt  }
0x83: {  	_ =	shalt  }
0x84: {  	_ =	shalt  }
0x85: {  	_ =	shalt  }
0x86: {  	_ =	shalt  }
0x87: {  	_ =	shalt  }
.Lfunc_end0:
.L_simem_size_0:
called_computation.1_lowered:
.L_overlay_start_0:
0x88: {  	s2 =	sld [smem:$0x3FD9]  }
0x89: {  	s3 =	sld [smem:$0x3FFE];
	_ =	sdelay $0x1  }
0x8a: {  	s1 =	srdreg.scid  }
0x8b: {  	s0 =	sand.u32 $0x1, s1  }
0x8c: {  	s16 =	sshll.u32 s0, $0xA;
	s2 =	sadd.s32 s3, s2  }
0x8d: {  	s2 =	sadd.s32 s2, s16  }
0x8e: {  	[smem:$0x3FBC] =	sst s2  }
0x8f: {  	_ = 	snop  }
0x90: {  	(tm) =	ssettm $0x1  }
0x91: {  	s17 =	sld [smem:$0x3FFB];
	_ =	sdelay $0x3  }
0x92: {  	_ =	strace s17  }
0x93: {  	s2 =	sld [smem:$0x3FFC];
	_ =	sdelay $0x3  }
0x94: {  	_ =	strace s2  }
0x95: {  	s2 =	sld [smem:$0x3FFD];
	_ =	sdelay $0x3  }
0x96: {  	_ =	strace s2  }
0x97: {  	_ =	strace $0x8FFFFFFF  }
0x98: {  	s18 =	sld [smem:$0x3FDB];
	_ =	sdelay $0x1  }
0x99: {  	s19 =	simm.s32 $_scs_section_size  }
0x9a: {  	s4 =	simm.s32 $_size__tile_overlayer_lowered;
	s5 =	simm.s32 $_tile_overlayer_lowered  }
0x9b: {  	s22 =	simm.s32 $0x1BFF;
	s21 =	sshll.u32 s5, $0x1;
	s2 =	sadd.s32 s19, s18  }
0x9c: {  	s6 =	simm.s32 $0x0;
	s20 =	sshll.u32 s4, $0x1;
	s4 =	sadd.s32 s21, s2  }
0x9d: {  	[timem:s6], [sflag:s22] =	dma.local [hbm:s4], s20  }
0x9e: {  	_ =	swait.ge [sflag:s22], s20  }
0x9f: {  	s3 =	ssub.s32 $0x0, s20;
	[sflag:s22] =	ssyncset.done $0x0  }
0xa0: {  	[sflag:s22] =	ssyncadd.s32 s3;
	_ =	sdelay $0x1  }
0xa1: {  	s23 =	simm.s32 $0x1B8B  }
0xa2: {  	_ =	swait.ge [sflag:s23], $0x1  }
0xa3: {  	[sflag:s23] =	ssyncset.done $0x0  }
0xa4: {  	s25 =	simm.s32 $0x1B8E;
	s24 =	sld [smem:$0x3FFE];
	[sflag:s23] =	ssyncadd.s32 $0xFFFFFFFF  }
0xa5: {  	s26 =	simm.s32 $execute0_lowered;
	[smem:$0x3FD2] =	sst s25  }
0xa6: {  	s4 =	sshll.u32 s26, $0x1;
	_ =	strace $0x80000049;
	[dreg:$0x1] =	wrdreg $0xFFFFFFFF  }
0xa7: {  	s28 =	simm.s32 $_size_execute0_lowered;
	s2 =	sadd.s32 s2, s4;
	[dreg:$0x0] =	wrdreg $0x0  }
0xa8: {  	s4 =	sshll.u32 s28, $0x1;
	[dreg:$0x2] =	wrdreg s2  }
0xa9: {  	[dreg:$0x3] =	wrdreg s4  }
0xaa: {  	[dreg:$0x4] =	wrdreg $0xC0  }
0xab: {  	_ =	task [dreg:s6], $0x5FFFF  }
0xac: {  	[dreg:$0x1] =	wrdreg $0xFFFFFFFF  }
0xad: {  	[dreg:$0x0] =	wrdreg $0x60  }
0xae: {  	[dreg:$0x2] =	wrdreg s24  }
0xaf: {  	[dreg:$0x3] =	wrdreg $0x138800  }
0xb0: {  	[dreg:$0x4] =	wrdreg $0x150F00  }
0xb1: {  	[dreg:$0x5] =	wrdreg $0x169600  }
0xb2: {  	[dreg:$0x6] =	wrdreg $0x181D00  }
0xb3: {  	[dreg:$0x7] =	wrdreg $0x9  }
0xb4: {  	_ =	task.clear_ibuf [dreg:s6], $0x8FFFF;
	_ =	strace $0x90000049  }
0xb5: {  	s29 =	simm.s32 $0x9;
	_ =	strace $0x8000004B  }
0xb6: {  	_ =	swait.ge [sflag:s29], $0x1  }
0xb7: {  	[sflag:s29] =	ssyncadd.s32 $0xFFFFFFFF  }
0xb8: {  	_ =	strace $0x9000004B  }
0xb9: {  	_ =	sfence  }
0xba: {  	s30 =	sld [smem:$0x0];
	_ =	sdelay $0x2  }
0xbb: {  	s31 =	sshll.u32 s1, $0xD;
	s1 =	sshrl.u32 s1, $0x2  }
0xbc: {  	s3 =	sand.u32 $0x4000, s31;
	s1 =	sadd.s32 s1, s30  }
0xbd: {  	s0 =	sor.u32 s3, s0;
	s1 =	sshll.u32 s1, $0x11  }
0xbe: {  	s0 =	sor.u32 s1, s0  }
0xbf: {  	s0 =	sadd.s32 $0x8F2B, s0  }
0xc0: {  	[sflag:s0] =	ssyncadd.remote.s32 $0x1  }
0xc1: {  	_ =	sfence.sel $0xFFFF  }
0xc2: {  	[dreg:$0x0] =	wrdreg $0xFFFFFFFF;
	(pc) =	sbr.abs _section_cstart, $3  }
0xc3: {  	[dreg:$0x1] =	wrdreg $0xFFFFFFFF  }
0xc4: {  	_ =	task.clear_ibuf [dreg:s6], $0x2FFFF;
	_ =	strace $0x9FFFFFFF  }
0xc5: {  	(tm) =	ssettm $0x7FFFFFFF  }
tec
execute0_lowered:
.L_overlay_start_1:
0x0: {  	(tag) =	ssettag $0x1  }
0x1: {  	s0 =	rddreg [dreg:$0x0]  }
0x2: {  	s1 =	rddreg [dreg:$0x1]  }
0x3: {  	s2 =	rddreg [dreg:$0x2]  }
0x4: {  	s4 =	rddreg [dreg:$0x3]  }
0x5: {  	s5 =	rddreg [dreg:$0x4]  }
0x6: {  	s6 =	simm.s32 $0x0;
	s7 =	stileid.u32;
	s8 =	srdreg.scid  }
0x7: {  	s28 =	simm.s32 $0x5;
	s29 =	simm.s32 $0xD6D8;
	s30 =	simm.s32 $0x124F8  }
0x8: {  	[smem:$0x7FF] =	sst s6;
	s3 =	smul.u32 $0x1870, s7;
	s19 =	sadd.s32 $0x1400, s0  }
0x9: {  	s8 =	sand.u32 $0x1, s8;
	s10 =	sadd.s32 $0x191400, s0;
	s13 =	sshll.u32 s7, $0x1  }
0xa: {  	s22 =	smul.u32 $0x61A80, s7;
	p0 =	seq.s32 s7, $0xF;
	_ =	strace $0x8000004A  }
0xb: {  	s11 =	ssub.s32 $0x2, s8;
	s14 =	smul.u32 $0x30D40, s8;
	s8 =	sor.u32 s8, s13  }
0xc: {  	[dreg:$0xd] =	wrdreg s19;
	s9 =	sshrl.u32 s3, $0x3;
	s12 =	sshrl.u32 s11, $0x1  }
0xd: {  	s13 =	sadd.s32 s3, s1;
	s23 =	sadd.s32 s3, s4;
	s24 =	sadd.s32 s3, s5  }
0xe: {  	s8 =	smul.u32 $0x30D40, s8;
	s9 =	sadd.s32 s9, s0;
	s11 =	ssub.s32 s11, s12  }
0xf: {  	[dreg:$0x10] =	wrdreg s23;
	s23 =	sadd.s32 $0x18DDD2, s0;
	s15 =	sadd.s32 $0x18B000, s9  }
0x10: {  	s12 =	sadd.s32 s14, s22;
	s16 =	sadd.s32 $0x187E00, s9;
	s9 =	sadd.s32 $0x18E200, s9  }
0x11: {  	[dreg:$0x12] =	wrdreg s24;
	s25 =	sadd.s32 $0x61F620, s12;
	s17 =	sadd.s32 $0x3A98, s12  }
0x12: {  	s18 =	sadd.s32 $0x61E298, s12;
	s20 =	sadd.s32 $0x2710, s12;
	[dreg:$0x13] =	wrdreg s23  }
0x13: {  	s22 =	sadd.s32 $0x61CF10, s12;
	s24 =	sadd.s32 $0x1388, s12;
	[dreg:$0xe] =	wrdreg s15  }
0x14: {  	s8 =	sshrl.u32 s8, $0x3;
	s23 =	sadd.s32 $0x4E20, s12;
	[dreg:$0xf] =	wrdreg s16  }
0x15: {  	s15 =	sadd.s32 s3, s2;
	[dreg:$0x11] =	wrdreg s9;
	s16 =	sadd.s32 $0x16E90, s1  }
0x16: {  	s9 =	sshrl.u32 s25, $0x3;
	s17 =	sshrl.u32 s17, $0x3;
	s31 =	sshrl.u32 s18, $0x3  }
0x17: {  	s21 =	sshrl.u32 s20, $0x3;
	s3 =	sadd.s32 s3, s14;
	s25 =	sshrl.u32 s14, $0x3  }
0x18: {  	s8 =	sadd.s32 s19, s8;
	[dreg:$0x1b] =	wrdreg s23;
	s23 =	simm.s32 $0x88B8  }
0x19: {  	s14 =	simm.s32 $0x4;
	s9 =	sadd.s32 s9, s19;
	[dreg:$0x17] =	wrdreg s8  }
0x1a: {  	s26 =	sadd.s32 s17, s19;
	s18 =	sadd.s32 s31, s19;
	[dreg:$0x6] =	wrdreg s9  }
0x1b: {  	s17 =	sshrl.u32 s22, $0x3;
	s3 =	sshrl.u32 s3, $0x3;
	[dreg:$0x7] =	wrdreg s26  }
0x1c: {  	s31 =	sadd.s32 $0x61BB88, s12;
	s22 =	smax.u32 s11, $0x1;
	[dreg:$0x8] =	wrdreg s18  }
0x1d: {  	s12 =	simm.s32 $0x1;
	s9 =	sadd.s32 s21, s19;
	[dreg:$0x1a] =	wrdreg s22  }
0x1e: {  	s17 =	sadd.s32 s17, s19;
	s18 =	sadd.s32 s10, s3;
	[dreg:$0x9] =	wrdreg s9  }
0x1f: {  	s3 =	sadd.s32 s10, s25;
	s25 =	sadd.s32 $0x16E90, s5;
	[dreg:$0xa] =	wrdreg s17  }
0x20: {  	s11 =	simm.s32 $0x0;
	s10 =	sshrl.u32 s31, $0x3;
	[smem:$0x7FB] =	sst s25  }
0x21: {  	s22 =	simm.s32 $0x3A98;
	s20 =	sadd.s32 $0x2DD2, s3;
	[dreg:$0x14] =	wrdreg s18  }
0x22: {  	s9 =	sadd.s32 $0x16E90, s2;
	s21 =	sadd.s32 $0x5EA6, s3;
	[dreg:$0x18] =	wrdreg s20  }
0x23: {  	s17 =	sshrl.u32 s24, $0x3;
	s24 =	sadd.s32 $0x16E90, s4;
	[dreg:$0x19] =	wrdreg s21  }
0x24: {  	s31 =	sadd.s32 $0x30D4, s18;
	s3 =	simm.s32 $0x61A8;
	[smem:$0x7FA] =	sst s24  }
0x25: {  	s18 =	simm.s32 $0x3;
	s26 =	sadd.s32 s17, s19;
	[smem:$0x7FD] =	sst s31  }
0x26: {  	s25 =	simm.s32 $0x11170;
	s17 =	sadd.s32 $0x18ABD2, s0;
	[dreg:$0xb] =	wrdreg s26  }
0x27: {  	s0 =	sadd.s32 $0x190FD2, s0;
	s19 =	sadd.s32 s10, s19;
	[dreg:$0x15] =	wrdreg s17  }
0x28: {  	s10 =	simm.s32 $0xEA60;
	s20 =	simm.s32 $0xFDE8;
	[dreg:$0x16] =	wrdreg s0  }
0x29: {  	s24 =	simm.s32 $0xC350;
	[dreg:$0xc] =	wrdreg s19;
	s0 =	sshrl.u32 @p0 s16, $0x3  }
0x2a: {  	s26 =	sadd.s32 $0xC3500, s8;
	s8 =	simm.s32 $0x2;
	[dreg:$0x1c] =	wrdreg s0  }
0x2b: {  	s19 =	simm.s32 $0xAFC8;
	s0 =	sshrl.u32 @p0 s9, $0x3;
	[smem:$0x7FC] =	sst s26  }
0x2c: {  	s26 =	simm.s32 $0x6;
	[dreg:$0x1d] =	wrdreg s0;
	s0 =	sshrl.u32 @!p0 s13, $0x3  }
0x2d: {  	s13 =	simm.s32 $0x2710;
	[dreg:$0x1e] =	wrdreg s0;
	s0 =	sshrl.u32 @!p0 s15, $0x3  }
0x2e: {  	s15 =	simm.s32 $0x7530;
	[dreg:$0x1f] =	wrdreg s0;
	s0 =	simm.s32 $0x1388  }
.LBB2_1:
0x2f: {  	[smem:$0x7F4] =	sst s11  }
0x30: {  	s7 =	rddreg [dreg:$0x13]  }
0x31: {  	s11 =	simm.s32 @p0 $0x1FCA;
	s9 =	rddreg [dreg:$0x1c];
	s16 =	simm.s32 @p0 $0xA  }
0x32: {  	[spmem:s9], [sflag:s11] =	dma.local @p0 [hbm:s7], $0x302  }
0x33: {  	_ =	swait.ge @p0 [sflag:s16], $0x302  }
0x34: {  	[sflag:s16] =	ssyncset.done @p0 $0x0;
	s7 =	rddreg [dreg:$0x15]  }
0x35: {  	s9 =	rddreg [dreg:$0x1d];
	[sflag:s16] =	ssyncadd.s32 @p0 $0xFFFFFCFE  }
0x36: {  	[spmem:s9], [sflag:s11] =	dma.local @p0 [hbm:s7], $0x302  }
0x37: {  	_ =	swait.ge @p0 [sflag:s16], $0x302  }
0x38: {  	s7 =	sld [smem:$0x7FA];
	_ =	sdelay $0x2  }
0x39: {  	[sflag:s16] =	ssyncset.done @p0 $0x0;
	s9 =	sshrl.u32 @p0 s7, $0x3;
	s7 =	rddreg [dreg:$0x16]  }
0x3a: {  	[sflag:s16] =	ssyncadd.s32 @p0 $0xFFFFFCFE;
	[smem:$0x7F5] =	sst s9  }
0x3b: {  	[spmem:s9], [sflag:s11] =	dma.local @p0 [hbm:s7], $0x302  }
0x3c: {  	_ =	swait.ge @p0 [sflag:s16], $0x302  }
0x3d: {  	s9 =	sld [smem:$0x7FB];
	_ =	sdelay $0x2  }
0x3e: {  	[sflag:s16] =	ssyncset.done @p0 $0x0;
	s9 =	sshrl.u32 @p0 s9, $0x3  }
0x3f: {  	[sflag:s16] =	ssyncadd.s32 @p0 $0xFFFFFCFE;
	[smem:$0x7F6] =	sst s9  }
0x40: {  	[spmem:s9], [sflag:s11] =	dma.local @p0 [hbm:s7], $0x302  }
0x41: {  	s7 =	stileid.u32;
	_ =	swait.ge @p0 [sflag:s16], $0x302  }
0x42: {  	s11 =	sshll.u32 @!p0 s7, $0x6;
	s7 =	rddreg [dreg:$0xe]  }
0x43: {  	[sflag:s16] =	ssyncset.done @p0 $0x0;
	s9 =	rddreg [dreg:$0x1e]  }
0x44: {  	[sflag:s16] =	ssyncadd.s32 @p0 $0xFFFFFCFE;
	s16 =	sor.u32 @!p0 $0x1C0A, s11;
	s11 =	simm.s32 @!p0 $0xA  }
0x45: {  	[spmem:s9], [sflag:s16] =	dma.local @!p0 [hbm:s7], $0x30E  }
0x46: {  	_ =	swait.ge @!p0 [sflag:s11], $0x30E  }
0x47: {  	[sflag:s11] =	ssyncset.done @!p0 $0x0;
	s7 =	rddreg [dreg:$0xf]  }
0x48: {  	s9 =	rddreg [dreg:$0x1f];
	[sflag:s11] =	ssyncadd.s32 @!p0 $0xFFFFFCF2  }
0x49: {  	[spmem:s9], [sflag:s16] =	dma.local @!p0 [hbm:s7], $0x30E  }
0x4a: {  	_ =	swait.ge @!p0 [sflag:s11], $0x30E  }
0x4b: {  	s7 =	rddreg [dreg:$0x10]  }
0x4c: {  	[sflag:s11] =	ssyncset.done @!p0 $0x0;
	s9 =	sshrl.u32 @!p0 s7, $0x3;
	s7 =	rddreg [dreg:$0x11]  }
0x4d: {  	[sflag:s11] =	ssyncadd.s32 @!p0 $0xFFFFFCF2;
	[smem:$0x7F7] =	sst s9  }
0x4e: {  	[spmem:s9], [sflag:s16] =	dma.local @!p0 [hbm:s7], $0x30E  }
0x4f: {  	_ =	swait.ge @!p0 [sflag:s11], $0x30E  }
0x50: {  	s9 =	rddreg [dreg:$0x12]  }
0x51: {  	[sflag:s11] =	ssyncset.done @!p0 $0x0;
	[smem:$0x7F8] =	sst s16;
	s9 =	sshrl.u32 @!p0 s9, $0x3  }
0x52: {  	[sflag:s11] =	ssyncadd.s32 @!p0 $0xFFFFFCF2;
	[smem:$0x7F9] =	sst s9  }
0x53: {  	[spmem:s9], [sflag:s16] =	dma.local @!p0 [hbm:s7], $0x30E  }
0x54: {  	_ =	swait.ge @!p0 [sflag:s11], $0x30E  }
0x55: {  	[sflag:s11] =	ssyncset.done @!p0 $0x0  }
0x56: {  	[sflag:s11] =	ssyncadd.s32 @!p0 $0xFFFFFCF2  }
0x57: {  	[bflag:$0x0] =	sbarrier.arrive $0xFFFF  }
0x58: {  	s21 =	rddreg [dreg:$0x17]  }
0x59: {  	p1 =	por $0x1, $0x1;
	s31 =	sld [smem:$0x7FC]  }
0x5a: {  	[tilespmem:s6], [sflag:$0x2] =	stream.linear.gather [hbm4b:s21+s6], $0x1388, $0x38;
	[tilespmem:$0x19A40] =	vst v63  }
0x5b: {  	s9 =	simm.s32 $0x4E20;
	s11 =	simm.s32 @!p1 $0x7  }
0x5c: {  	[tilespmem:s9], [sflag:$0x2] =	stream.linear.gather [hbm4b:s31+s6], $0x1388, $0x38;
	[tilespmem:$0x19A40] =	vst v63  }
0x5d: {  	_ =	swait.ge @!p1 [sflag:s11], $0x1388  }
0x5e: {  	[sflag:s11] =	ssyncset.done @!p1 $0x0  }
0x5f: {  	[sflag:s11] =	ssyncadd.s32 @!p1 $0xFFFFEC78  }
0x60: {  	_ =	swait.ge @!p1 [sflag:s11], $0x1388  }
0x61: {  	s7 =	rddreg [dreg:$0xb];
	[sflag:s11] =	ssyncset.done @!p1 $0x0  }
0x62: {  	s17 =	rddreg [dreg:$0xc];
	[sflag:s11] =	ssyncadd.s32 @!p1 $0xFFFFEC78;
	s16 =	sadd.s32 $0x0, s7  }
0x63: {  	[tilespmem:s0], [sflag:$0x3] =	stream.linear.gather [hbm4b:s16+s6], $0x1388, $0x38;
	[tilespmem:$0x19A40] =	vst v63  }
0x64: {  	s21 =	sadd.s32 $0x0, s17  }
0x65: {  	[tilespmem:s3], [sflag:$0x3] =	stream.linear.gather [hbm4b:s21+s6], $0x1388, $0x38;
	[tilespmem:$0x19A40] =	vst v63  }
0x66: {  	_ =	swait.ge [sflag:s8], $0x1388  }
0x67: {  	[sflag:s8] =	ssyncset.done $0x0  }
0x68: {  	[sflag:s8] =	ssyncadd.s32 $0xFFFFEC78  }
0x69: {  	_ =	swait.ge [sflag:s8], $0x1388  }
0x6a: {  	[sflag:s8] =	ssyncset.done $0x0  }
0x6b: {  	s31 =	simm.s32 $0x9C40;
	[sflag:s8] =	ssyncadd.s32 $0xFFFFEC78  }
0x6c: {  	[tilespmem:s31], [sflag:$0x1] =	stream.indirect.gather [spmem:s1], $0x1, s6, s0, $0xb8;
	[tilespmem:$0x19A40] =	vst v63  }
0x6d: {  	_ = 	snop  }
0x6e: {  	[tilespmem:s10], [sflag:$0x1] =	stream.indirect.gather [spmem:s2], $0x1, s6, s0, $0xb8;
	[tilespmem:$0x19A40] =	vst v63  }
0x6f: {  	_ =	swait.ge [sflag:s12], $0x1388  }
0x70: {  	[sflag:s12] =	ssyncset.done $0x0  }
0x71: {  	[sflag:s12] =	ssyncadd.s32 $0xFFFFEC78  }
0x72: {  	_ =	swait.ge [sflag:s12], $0x1388  }
0x73: {  	[sflag:s12] =	ssyncset.done $0x0  }
0x74: {  	[sflag:s12] =	ssyncadd.s32 $0xFFFFEC78  }
0x75: {  	[spmem:s4] =	stream.indirect.scatter.add.f32 [tilespmem:s31], [sflag:$0x6], $0x1, s9, s0, $0xb8;
	[tilespmem:$0x19A40] =	vst v63  }
0x76: {  	s11 =	simm.s32 @!p1 $0x8  }
0x77: {  	[spmem:s5] =	stream.indirect.scatter.add.f32 [tilespmem:s10], [sflag:$0x6], $0x1, s9, s0, $0xb8;
	[tilespmem:$0x19A40] =	vst v63  }
0x78: {  	_ =	swait.ge @!p1 [sflag:s11], $0x1388  }
0x79: {  	[sflag:s11] =	ssyncset.done @!p1 $0x0  }
0x7a: {  	[sflag:s11] =	ssyncadd.s32 @!p1 $0xFFFFEC78  }
0x7b: {  	_ =	swait.ge @!p1 [sflag:s11], $0x1388  }
0x7c: {  	s7 =	rddreg [dreg:$0x9];
	[sflag:s11] =	ssyncset.done @!p1 $0x0  }
0x7d: {  	s9 =	rddreg [dreg:$0xa];
	[sflag:s11] =	ssyncadd.s32 @!p1 $0xFFFFEC78;
	s21 =	sadd.s32 $0x0, s7  }
0x7e: {  	[tilespmem:s13], [sflag:$0x4] =	stream.linear.gather [hbm4b:s21+s6], $0x1388, $0x38;
	[tilespmem:$0x19A40] =	vst v63  }
0x7f: {  	s31 =	sadd.s32 $0x0, s9  }
0x80: {  	[tilespmem:s15], [sflag:$0x4] =	stream.linear.gather [hbm4b:s31+s6], $0x1388, $0x38;
	[tilespmem:$0x19A40] =	vst v63  }
0x81: {  	_ =	swait.ge [sflag:s18], $0x1388  }
0x82: {  	[sflag:s18] =	ssyncset.done $0x0  }
0x83: {  	[sflag:s18] =	ssyncadd.s32 $0xFFFFEC78  }
0x84: {  	_ =	swait.ge [sflag:s18], $0x1388  }
0x85: {  	[sflag:s18] =	ssyncset.done $0x0  }
0x86: {  	[sflag:s18] =	ssyncadd.s32 $0xFFFFEC78  }
0x87: {  	[tilespmem:s19], [sflag:$0x1] =	stream.indirect.gather [spmem:s1], $0x1, s0, s0, $0xb8;
	[tilespmem:$0x19A40] =	vst v63  }
0x88: {  	_ = 	snop  }
0x89: {  	[tilespmem:s20], [sflag:$0x1] =	stream.indirect.gather [spmem:s2], $0x1, s0, s0, $0xb8;
	[tilespmem:$0x19A40] =	vst v63  }
0x8a: {  	_ =	swait.ge [sflag:s12], $0x1388  }
0x8b: {  	[sflag:s12] =	ssyncset.done $0x0  }
0x8c: {  	[sflag:s12] =	ssyncadd.s32 $0xFFFFEC78  }
0x8d: {  	_ =	swait.ge [sflag:s12], $0x1388  }
0x8e: {  	[sflag:s12] =	ssyncset.done $0x0  }
0x8f: {  	[sflag:s12] =	ssyncadd.s32 $0xFFFFEC78  }
0x90: {  	[spmem:s4] =	stream.indirect.scatter.add.f32 [tilespmem:s19], [sflag:$0x7], $0x1, s3, s0, $0xb8;
	[tilespmem:$0x19A40] =	vst v63  }
0x91: {  	s11 =	simm.s32 @!p1 $0x9  }
0x92: {  	[spmem:s5] =	stream.indirect.scatter.add.f32 [tilespmem:s20], [sflag:$0x7], $0x1, s3, s0, $0xb8;
	[tilespmem:$0x19A40] =	vst v63  }
0x93: {  	_ =	swait.ge @!p1 [sflag:s11], $0x1388  }
0x94: {  	[sflag:s11] =	ssyncset.done @!p1 $0x0  }
0x95: {  	[sflag:s11] =	ssyncadd.s32 @!p1 $0xFFFFEC78  }
0x96: {  	_ =	swait.ge @!p1 [sflag:s11], $0x1388  }
0x97: {  	s7 =	rddreg [dreg:$0x7];
	[sflag:s11] =	ssyncset.done @!p1 $0x0  }
0x98: {  	s9 =	rddreg [dreg:$0x8];
	[sflag:s11] =	ssyncadd.s32 @!p1 $0xFFFFEC78;
	s21 =	sadd.s32 $0x0, s7  }
0x99: {  	[tilespmem:s22], [sflag:$0x5] =	stream.linear.gather [hbm4b:s21+s6], $0x1388, $0x38;
	[tilespmem:$0x19A40] =	vst v63  }
0x9a: {  	s31 =	sadd.s32 $0x0, s9  }
0x9b: {  	[tilespmem:s23], [sflag:$0x5] =	stream.linear.gather [hbm4b:s31+s6], $0x1388, $0x38;
	[tilespmem:$0x19A40] =	vst v63  }
0x9c: {  	_ =	swait.ge [sflag:s14], $0x1388  }
0x9d: {  	[sflag:s14] =	ssyncset.done $0x0  }
0x9e: {  	[sflag:s14] =	ssyncadd.s32 $0xFFFFEC78  }
0x9f: {  	_ =	swait.ge [sflag:s14], $0x1388  }
0xa0: {  	[sflag:s14] =	ssyncset.done $0x0  }
0xa1: {  	[sflag:s14] =	ssyncadd.s32 $0xFFFFEC78  }
0xa2: {  	[tilespmem:s24], [sflag:$0x1] =	stream.indirect.gather [spmem:s1], $0x1, s13, s0, $0xb8;
	[tilespmem:$0x19A40] =	vst v63  }
0xa3: {  	_ = 	snop  }
0xa4: {  	[tilespmem:s25], [sflag:$0x1] =	stream.indirect.gather [spmem:s2], $0x1, s13, s0, $0xb8;
	[tilespmem:$0x19A40] =	vst v63  }
0xa5: {  	_ =	swait.ge [sflag:s12], $0x1388  }
0xa6: {  	[sflag:s12] =	ssyncset.done $0x0  }
0xa7: {  	[sflag:s12] =	ssyncadd.s32 $0xFFFFEC78  }
0xa8: {  	_ =	swait.ge [sflag:s12], $0x1388  }
0xa9: {  	[sflag:s12] =	ssyncset.done $0x0  }
0xaa: {  	[sflag:s12] =	ssyncadd.s32 $0xFFFFEC78  }
0xab: {  	[spmem:s4] =	stream.indirect.scatter.add.f32 [tilespmem:s24], [sflag:$0x8], $0x1, s15, s0, $0xb8;
	[tilespmem:$0x19A40] =	vst v63  }
0xac: {  	_ = 	snop  }
0xad: {  	[spmem:s5] =	stream.indirect.scatter.add.f32 [tilespmem:s25], [sflag:$0x8], $0x1, s15, s0, $0xb8;
	[tilespmem:$0x19A40] =	vst v63  }
0xae: {  	_ =	swait.ge [sflag:s26], $0x1388  }
0xaf: {  	[sflag:s26] =	ssyncset.done $0x0  }
0xb0: {  	[sflag:s26] =	ssyncadd.s32 $0xFFFFEC78  }
0xb1: {  	p1 =	por $0x0, $0x0;
	_ =	swait.ge [sflag:s26], $0x1388  }
0xb2: {  	s17 =	simm.s32 @!p1 $0x0;
	s9 =	rddreg [dreg:$0x1b]  }
0xb3: {  	[sflag:s26] =	ssyncset.done $0x0;
	s7 =	rddreg [dreg:$0xd];
	s11 =	sshrl.u32 @!p1 s9, $0x3  }
0xb4: {  	s16 =	rddreg [dreg:$0x6];
	[sflag:s26] =	ssyncadd.s32 $0xFFFFEC78;
	s11 =	sadd.s32 @!p1 s7, s11  }
0xb5: {  	[tilespmem:s17], [sflag:$0x2] =	stream.linear.gather @!p1 [hbm4b:s11+s17], $0x1388, $0x38;
	[tilespmem:$0x19A40] =	vst v63  }
0xb6: {  	s11 =	sadd.s32 @!p1 $0x0, s16;
	s16 =	simm.s32 @!p1 $0x4E20  }
0xb7: {  	[tilespmem:s16], [sflag:$0x2] =	stream.linear.gather @!p1 [hbm4b:s11+s17], $0x1388, $0x38;
	[tilespmem:$0x19A40] =	vst v63  }
0xb8: {  	_ =	swait.ge [sflag:s28], $0x1388  }
0xb9: {  	[sflag:s28] =	ssyncset.done $0x0  }
0xba: {  	[sflag:s28] =	ssyncadd.s32 $0xFFFFEC78  }
0xbb: {  	_ =	swait.ge [sflag:s28], $0x1388  }
0xbc: {  	[sflag:s28] =	ssyncset.done $0x0  }
0xbd: {  	[sflag:s28] =	ssyncadd.s32 $0xFFFFEC78  }
0xbe: {  	[tilespmem:s29], [sflag:$0x1] =	stream.indirect.gather [spmem:s1], $0x1, s22, s0, $0xb8;
	[tilespmem:$0x19A40] =	vst v63  }
0xbf: {  	_ = 	snop  }
0xc0: {  	[tilespmem:s30], [sflag:$0x1] =	stream.indirect.gather [spmem:s2], $0x1, s22, s0, $0xb8;
	[tilespmem:$0x19A40] =	vst v63  }
0xc1: {  	_ =	swait.ge [sflag:s12], $0x1388  }
0xc2: {  	[sflag:s12] =	ssyncset.done $0x0  }
0xc3: {  	[sflag:s12] =	ssyncadd.s32 $0xFFFFEC78  }
0xc4: {  	_ =	swait.ge [sflag:s12], $0x1388  }
0xc5: {  	p2 =	por $0x0, $0x0;
	s21 =	simm.s32 $0x1388;
	[sflag:s12] =	ssyncset.done $0x0  }
0xc6: {  	s11 =	simm.s32 $0x9C4;
	s16 =	smov.u32 s9;
	[sflag:s12] =	ssyncadd.s32 $0xFFFFEC78  }
0xc7: {  	[spmem:s4] =	stream.indirect.scatter.add.f32 [tilespmem:s29], [sflag:$0x9], $0x1, s23, s0, $0xb8;
	[tilespmem:$0x19A40] =	vst v63  }
.LBB2_2:
0xc8: {  	s7 =	simm.s32 @!p2 $0x7  }
0xc9: {  	[spmem:s5] =	stream.indirect.scatter.add.f32 [tilespmem:s30], [sflag:$0x9], $0x1, s23, s0, $0xb8;
	[tilespmem:$0x19A40] =	vst v63  }
0xca: {  	_ =	swait.ge @!p2 [sflag:s7], $0x1388  }
0xcb: {  	[sflag:s7] =	ssyncset.done @!p2 $0x0  }
0xcc: {  	[sflag:s7] =	ssyncadd.s32 @!p2 $0xFFFFEC78  }
0xcd: {  	_ =	swait.ge @!p2 [sflag:s7], $0x1388  }
0xce: {  	s31 =	rddreg [dreg:$0xb];
	[sflag:s7] =	ssyncset.done @!p2 $0x0  }
0xcf: {  	s9 =	rddreg [dreg:$0xc];
	[sflag:s7] =	ssyncadd.s32 @!p2 $0xFFFFEC78;
	s31 =	sadd.s32 s11, s31  }
0xd0: {  	[tilespmem:s0], [sflag:$0x3] =	stream.linear.gather [hbm4b:s31+s6], $0x1388, $0x38;
	[tilespmem:$0x19A40] =	vst v63  }
0xd1: {  	s31 =	sadd.s32 s11, s9  }
0xd2: {  	[tilespmem:s3], [sflag:$0x3] =	stream.linear.gather [hbm4b:s31+s6], $0x1388, $0x38;
	[tilespmem:$0x19A40] =	vst v63  }
0xd3: {  	_ =	swait.ge [sflag:s8], $0x1388  }
0xd4: {  	[sflag:s8] =	ssyncset.done $0x0  }
0xd5: {  	[sflag:s8] =	ssyncadd.s32 $0xFFFFEC78  }
0xd6: {  	_ =	swait.ge [sflag:s8], $0x1388  }
0xd7: {  	[sflag:s8] =	ssyncset.done $0x0  }
0xd8: {  	s9 =	simm.s32 $0x9C40;
	[sflag:s8] =	ssyncadd.s32 $0xFFFFEC78  }
0xd9: {  	[tilespmem:s9], [sflag:$0x1] =	stream.indirect.gather [spmem:s1], $0x1, s6, s0, $0xb8;
	[tilespmem:$0x19A40] =	vst v63  }
0xda: {  	_ = 	snop  }
0xdb: {  	[tilespmem:s10], [sflag:$0x1] =	stream.indirect.gather [spmem:s2], $0x1, s6, s0, $0xb8;
	[tilespmem:$0x19A40] =	vst v63  }
0xdc: {  	_ =	swait.ge [sflag:s12], $0x1388  }
0xdd: {  	[sflag:s12] =	ssyncset.done $0x0  }
0xde: {  	[sflag:s12] =	ssyncadd.s32 $0xFFFFEC78  }
0xdf: {  	_ =	swait.ge [sflag:s12], $0x1388  }
0xe0: {  	[sflag:s12] =	ssyncset.done $0x0  }
0xe1: {  	s31 =	simm.s32 $0x4E20;
	[sflag:s12] =	ssyncadd.s32 $0xFFFFEC78  }
0xe2: {  	[spmem:s4] =	stream.indirect.scatter.add.f32 [tilespmem:s9], [sflag:$0x6], $0x1, s31, s0, $0xb8;
	[tilespmem:$0x19A40] =	vst v63  }
0xe3: {  	s7 =	simm.s32 @!p2 $0x8  }
0xe4: {  	[spmem:s5] =	stream.indirect.scatter.add.f32 [tilespmem:s10], [sflag:$0x6], $0x1, s31, s0, $0xb8;
	[tilespmem:$0x19A40] =	vst v63  }
0xe5: {  	_ =	swait.ge @!p2 [sflag:s7], $0x1388  }
0xe6: {  	[sflag:s7] =	ssyncset.done @!p2 $0x0  }
0xe7: {  	[sflag:s7] =	ssyncadd.s32 @!p2 $0xFFFFEC78  }
0xe8: {  	_ =	swait.ge @!p2 [sflag:s7], $0x1388  }
0xe9: {  	s9 =	rddreg [dreg:$0x9];
	[sflag:s7] =	ssyncset.done @!p2 $0x0  }
0xea: {  	s31 =	rddreg [dreg:$0xa];
	[sflag:s7] =	ssyncadd.s32 @!p2 $0xFFFFEC78;
	s9 =	sadd.s32 s11, s9  }
0xeb: {  	[tilespmem:s13], [sflag:$0x4] =	stream.linear.gather [hbm4b:s9+s6], $0x1388, $0x38;
	[tilespmem:$0x19A40] =	vst v63  }
0xec: {  	s31 =	sadd.s32 s11, s31  }
0xed: {  	[tilespmem:s15], [sflag:$0x4] =	stream.linear.gather [hbm4b:s31+s6], $0x1388, $0x38;
	[tilespmem:$0x19A40] =	vst v63  }
0xee: {  	_ =	swait.ge [sflag:s18], $0x1388  }
0xef: {  	[sflag:s18] =	ssyncset.done $0x0  }
0xf0: {  	[sflag:s18] =	ssyncadd.s32 $0xFFFFEC78  }
0xf1: {  	_ =	swait.ge [sflag:s18], $0x1388  }
0xf2: {  	[sflag:s18] =	ssyncset.done $0x0  }
0xf3: {  	[sflag:s18] =	ssyncadd.s32 $0xFFFFEC78  }
0xf4: {  	[tilespmem:s19], [sflag:$0x1] =	stream.indirect.gather [spmem:s1], $0x1, s0, s0, $0xb8;
	[tilespmem:$0x19A40] =	vst v63  }
0xf5: {  	_ = 	snop  }
0xf6: {  	[tilespmem:s20], [sflag:$0x1] =	stream.indirect.gather [spmem:s2], $0x1, s0, s0, $0xb8;
	[tilespmem:$0x19A40] =	vst v63  }
0xf7: {  	_ =	swait.ge [sflag:s12], $0x1388  }
0xf8: {  	[sflag:s12] =	ssyncset.done $0x0  }
0xf9: {  	[sflag:s12] =	ssyncadd.s32 $0xFFFFEC78  }
0xfa: {  	_ =	swait.ge [sflag:s12], $0x1388  }
0xfb: {  	[sflag:s12] =	ssyncset.done $0x0  }
0xfc: {  	[sflag:s12] =	ssyncadd.s32 $0xFFFFEC78  }
0xfd: {  	[spmem:s4] =	stream.indirect.scatter.add.f32 [tilespmem:s19], [sflag:$0x7], $0x1, s3, s0, $0xb8;
	[tilespmem:$0x19A40] =	vst v63  }
0xfe: {  	s7 =	simm.s32 @!p2 $0x9  }
0xff: {  	[spmem:s5] =	stream.indirect.scatter.add.f32 [tilespmem:s20], [sflag:$0x7], $0x1, s3, s0, $0xb8;
	[tilespmem:$0x19A40] =	vst v63  }
0x100: {  	_ =	swait.ge @!p2 [sflag:s7], $0x1388  }
0x101: {  	[sflag:s7] =	ssyncset.done @!p2 $0x0  }
0x102: {  	[sflag:s7] =	ssyncadd.s32 @!p2 $0xFFFFEC78  }
0x103: {  	_ =	swait.ge @!p2 [sflag:s7], $0x1388  }
0x104: {  	s9 =	rddreg [dreg:$0x7];
	[sflag:s7] =	ssyncset.done @!p2 $0x0  }
0x105: {  	s31 =	rddreg [dreg:$0x8];
	[sflag:s7] =	ssyncadd.s32 @!p2 $0xFFFFEC78;
	s9 =	sadd.s32 s11, s9  }
0x106: {  	[tilespmem:s22], [sflag:$0x5] =	stream.linear.gather [hbm4b:s9+s6], $0x1388, $0x38;
	[tilespmem:$0x19A40] =	vst v63  }
0x107: {  	s31 =	sadd.s32 s11, s31  }
0x108: {  	[tilespmem:s23], [sflag:$0x5] =	stream.linear.gather [hbm4b:s31+s6], $0x1388, $0x38;
	[tilespmem:$0x19A40] =	vst v63  }
0x109: {  	_ =	swait.ge [sflag:s14], $0x1388  }
0x10a: {  	[sflag:s14] =	ssyncset.done $0x0  }
0x10b: {  	[sflag:s14] =	ssyncadd.s32 $0xFFFFEC78  }
0x10c: {  	_ =	swait.ge [sflag:s14], $0x1388  }
0x10d: {  	[sflag:s14] =	ssyncset.done $0x0  }
0x10e: {  	[sflag:s14] =	ssyncadd.s32 $0xFFFFEC78  }
0x10f: {  	[tilespmem:s24], [sflag:$0x1] =	stream.indirect.gather [spmem:s1], $0x1, s13, s0, $0xb8;
	[tilespmem:$0x19A40] =	vst v63  }
0x110: {  	_ = 	snop  }
0x111: {  	[tilespmem:s25], [sflag:$0x1] =	stream.indirect.gather [spmem:s2], $0x1, s13, s0, $0xb8;
	[tilespmem:$0x19A40] =	vst v63  }
0x112: {  	_ =	swait.ge [sflag:s12], $0x1388  }
0x113: {  	[sflag:s12] =	ssyncset.done $0x0  }
0x114: {  	[sflag:s12] =	ssyncadd.s32 $0xFFFFEC78  }
0x115: {  	_ =	swait.ge [sflag:s12], $0x1388  }
0x116: {  	[sflag:s12] =	ssyncset.done $0x0  }
0x117: {  	[sflag:s12] =	ssyncadd.s32 $0xFFFFEC78  }
0x118: {  	[spmem:s4] =	stream.indirect.scatter.add.f32 [tilespmem:s24], [sflag:$0x8], $0x1, s15, s0, $0xb8;
	[tilespmem:$0x19A40] =	vst v63  }
0x119: {  	_ = 	snop  }
0x11a: {  	[spmem:s5] =	stream.indirect.scatter.add.f32 [tilespmem:s25], [sflag:$0x8], $0x1, s15, s0, $0xb8;
	[tilespmem:$0x19A40] =	vst v63  }
0x11b: {  	_ =	swait.ge [sflag:s26], $0x1388  }
0x11c: {  	[sflag:s26] =	ssyncset.done $0x0  }
0x11d: {  	[sflag:s26] =	ssyncadd.s32 $0xFFFFEC78  }
0x11e: {  	_ =	swait.ge [sflag:s26], $0x1388  }
0x11f: {  	s16 =	sadd.s32 $0x4E20, s16;
	p2 =	seq.s32 s11, $0x57E4;
	s9 =	rddreg [dreg:$0x6]  }
0x120: {  	s7 =	sshrl.u32 @!p2 s16, $0x3;
	[sflag:s26] =	ssyncset.done $0x0;
	s31 =	rddreg [dreg:$0xd]  }
0x121: {  	[sflag:s26] =	ssyncadd.s32 $0xFFFFEC78;
	s7 =	sadd.s32 @!p2 s31, s7;
	s31 =	simm.s32 @!p2 $0x0  }
0x122: {  	[tilespmem:s31], [sflag:$0x2] =	stream.linear.gather @!p2 [hbm4b:s7+s31], $0x1388, $0x38;
	[tilespmem:$0x19A40] =	vst v63  }
0x123: {  	s7 =	sadd.s32 @!p2 s11, s9;
	s9 =	simm.s32 @!p2 $0x4E20  }
0x124: {  	[tilespmem:s9], [sflag:$0x2] =	stream.linear.gather @!p2 [hbm4b:s7+s31], $0x1388, $0x38;
	[tilespmem:$0x19A40] =	vst v63  }
0x125: {  	_ =	swait.ge [sflag:s28], $0x1388  }
0x126: {  	[sflag:s28] =	ssyncset.done $0x0  }
0x127: {  	[sflag:s28] =	ssyncadd.s32 $0xFFFFEC78  }
0x128: {  	_ =	swait.ge [sflag:s28], $0x1388  }
0x129: {  	[sflag:s28] =	ssyncset.done $0x0  }
0x12a: {  	[sflag:s28] =	ssyncadd.s32 $0xFFFFEC78  }
0x12b: {  	[tilespmem:s29], [sflag:$0x1] =	stream.indirect.gather [spmem:s1], $0x1, s22, s0, $0xb8;
	[tilespmem:$0x19A40] =	vst v63  }
0x12c: {  	_ = 	snop  }
0x12d: {  	[tilespmem:s30], [sflag:$0x1] =	stream.indirect.gather [spmem:s2], $0x1, s22, s0, $0xb8;
	[tilespmem:$0x19A40] =	vst v63  }
0x12e: {  	s17 =	smov.u32 s21;
	s21 =	sadd.s32 $0x9C4, s21;
	_ =	swait.ge [sflag:s12], $0x1388  }
0x12f: {  	p1 =	sne.s32 s21, $0x61A8;
	[sflag:s12] =	ssyncset.done $0x0  }
.Ltmp0:
0x130: {  	[sflag:s12] =	ssyncadd.s32 $0xFFFFEC78;
	(pc) =	sbr.rel @p1 .LBB2_2-.Ltmp0, $4  }
0x131: {  	_ =	swait.ge [sflag:s12], $0x1388  }
0x132: {  	s11 =	smov.u32 s17;
	[sflag:s12] =	ssyncset.done $0x0  }
0x133: {  	p2 =	seq.s32 s11, $0x0;
	[sflag:s12] =	ssyncadd.s32 $0xFFFFEC78  }
0x134: {  	[spmem:s4] =	stream.indirect.scatter.add.f32 [tilespmem:s29], [sflag:$0x9], $0x1, s23, s0, $0xb8;
	[tilespmem:$0x19A40] =	vst v63  }
0x135: {  	s7 =	simm.s32 @!p2 $0x7  }
0x136: {  	[spmem:s5] =	stream.indirect.scatter.add.f32 [tilespmem:s30], [sflag:$0x9], $0x1, s23, s0, $0xb8;
	[tilespmem:$0x19A40] =	vst v63  }
0x137: {  	_ =	swait.ge @!p2 [sflag:s7], $0x1388  }
0x138: {  	[sflag:s7] =	ssyncset.done @!p2 $0x0  }
0x139: {  	[sflag:s7] =	ssyncadd.s32 @!p2 $0xFFFFEC78  }
0x13a: {  	_ =	swait.ge @!p2 [sflag:s7], $0x1388  }
0x13b: {  	s9 =	rddreg [dreg:$0xb];
	[sflag:s7] =	ssyncset.done @!p2 $0x0  }
0x13c: {  	s17 =	rddreg [dreg:$0xc];
	[sflag:s7] =	ssyncadd.s32 @!p2 $0xFFFFEC78;
	s9 =	sadd.s32 s11, s9  }
0x13d: {  	[tilespmem:s0], [sflag:$0x3] =	stream.linear.gather [hbm4b:s9+s6], $0x1388, $0x38;
	[tilespmem:$0x19A40] =	vst v63  }
0x13e: {  	s17 =	sadd.s32 s11, s17  }
0x13f: {  	[tilespmem:s3], [sflag:$0x3] =	stream.linear.gather [hbm4b:s17+s6], $0x1388, $0x38;
	[tilespmem:$0x19A40] =	vst v63  }
0x140: {  	_ =	swait.ge [sflag:s8], $0x1388  }
0x141: {  	[sflag:s8] =	ssyncset.done $0x0  }
0x142: {  	[sflag:s8] =	ssyncadd.s32 $0xFFFFEC78  }
0x143: {  	_ =	swait.ge [sflag:s8], $0x1388  }
0x144: {  	[sflag:s8] =	ssyncset.done $0x0  }
0x145: {  	s21 =	simm.s32 $0x9C40;
	[sflag:s8] =	ssyncadd.s32 $0xFFFFEC78  }
0x146: {  	[tilespmem:s21], [sflag:$0x1] =	stream.indirect.gather [spmem:s1], $0x1, s6, s0, $0xb8;
	[tilespmem:$0x19A40] =	vst v63  }
0x147: {  	_ = 	snop  }
0x148: {  	[tilespmem:s10], [sflag:$0x1] =	stream.indirect.gather [spmem:s2], $0x1, s6, s0, $0xb8;
	[tilespmem:$0x19A40] =	vst v63  }
0x149: {  	_ =	swait.ge [sflag:s12], $0x1388  }
0x14a: {  	[sflag:s12] =	ssyncset.done $0x0  }
0x14b: {  	[sflag:s12] =	ssyncadd.s32 $0xFFFFEC78  }
0x14c: {  	_ =	swait.ge [sflag:s12], $0x1388  }
0x14d: {  	[sflag:s12] =	ssyncset.done $0x0  }
0x14e: {  	s31 =	simm.s32 $0x4E20;
	[sflag:s12] =	ssyncadd.s32 $0xFFFFEC78  }
0x14f: {  	[spmem:s4] =	stream.indirect.scatter.add.f32 [tilespmem:s21], [sflag:$0x6], $0x1, s31, s0, $0xb8;
	[tilespmem:$0x19A40] =	vst v63  }
0x150: {  	s7 =	simm.s32 @!p2 $0x8  }
0x151: {  	[spmem:s5] =	stream.indirect.scatter.add.f32 [tilespmem:s10], [sflag:$0x6], $0x1, s31, s0, $0xb8;
	[tilespmem:$0x19A40] =	vst v63  }
0x152: {  	_ =	swait.ge @!p2 [sflag:s7], $0x1388  }
0x153: {  	[sflag:s7] =	ssyncset.done @!p2 $0x0  }
0x154: {  	[sflag:s7] =	ssyncadd.s32 @!p2 $0xFFFFEC78  }
0x155: {  	_ =	swait.ge @!p2 [sflag:s7], $0x1388  }
0x156: {  	s17 =	rddreg [dreg:$0x9];
	[sflag:s7] =	ssyncset.done @!p2 $0x0  }
0x157: {  	s21 =	rddreg [dreg:$0xa];
	[sflag:s7] =	ssyncadd.s32 @!p2 $0xFFFFEC78;
	s31 =	sadd.s32 s11, s17  }
0x158: {  	[tilespmem:s13], [sflag:$0x4] =	stream.linear.gather [hbm4b:s31+s6], $0x1388, $0x38;
	[tilespmem:$0x19A40] =	vst v63  }
0x159: {  	s9 =	sadd.s32 s11, s21  }
0x15a: {  	[tilespmem:s15], [sflag:$0x4] =	stream.linear.gather [hbm4b:s9+s6], $0x1388, $0x38;
	[tilespmem:$0x19A40] =	vst v63  }
0x15b: {  	_ =	swait.ge [sflag:s18], $0x1388  }
0x15c: {  	[sflag:s18] =	ssyncset.done $0x0  }
0x15d: {  	[sflag:s18] =	ssyncadd.s32 $0xFFFFEC78  }
0x15e: {  	_ =	swait.ge [sflag:s18], $0x1388  }
0x15f: {  	[sflag:s18] =	ssyncset.done $0x0  }
0x160: {  	[sflag:s18] =	ssyncadd.s32 $0xFFFFEC78  }
0x161: {  	[tilespmem:s19], [sflag:$0x1] =	stream.indirect.gather [spmem:s1], $0x1, s0, s0, $0xb8;
	[tilespmem:$0x19A40] =	vst v63  }
0x162: {  	_ = 	snop  }
0x163: {  	[tilespmem:s20], [sflag:$0x1] =	stream.indirect.gather [spmem:s2], $0x1, s0, s0, $0xb8;
	[tilespmem:$0x19A40] =	vst v63  }
0x164: {  	_ =	swait.ge [sflag:s12], $0x1388  }
0x165: {  	[sflag:s12] =	ssyncset.done $0x0  }
0x166: {  	[sflag:s12] =	ssyncadd.s32 $0xFFFFEC78  }
0x167: {  	_ =	swait.ge [sflag:s12], $0x1388  }
0x168: {  	[sflag:s12] =	ssyncset.done $0x0  }
0x169: {  	[sflag:s12] =	ssyncadd.s32 $0xFFFFEC78  }
0x16a: {  	[spmem:s4] =	stream.indirect.scatter.add.f32 [tilespmem:s19], [sflag:$0x7], $0x1, s3, s0, $0xb8;
	[tilespmem:$0x19A40] =	vst v63  }
0x16b: {  	s7 =	simm.s32 @!p2 $0x9  }
0x16c: {  	[spmem:s5] =	stream.indirect.scatter.add.f32 [tilespmem:s20], [sflag:$0x7], $0x1, s3, s0, $0xb8;
	[tilespmem:$0x19A40] =	vst v63  }
0x16d: {  	_ =	swait.ge @!p2 [sflag:s7], $0x1388  }
0x16e: {  	[sflag:s7] =	ssyncset.done @!p2 $0x0  }
0x16f: {  	[sflag:s7] =	ssyncadd.s32 @!p2 $0xFFFFEC78  }
0x170: {  	_ =	swait.ge @!p2 [sflag:s7], $0x1388  }
0x171: {  	s17 =	rddreg [dreg:$0x7];
	[sflag:s7] =	ssyncset.done @!p2 $0x0  }
0x172: {  	s21 =	rddreg [dreg:$0x8];
	[sflag:s7] =	ssyncadd.s32 @!p2 $0xFFFFEC78;
	s31 =	sadd.s32 s11, s17  }
0x173: {  	[tilespmem:s22], [sflag:$0x5] =	stream.linear.gather [hbm4b:s31+s6], $0x1388, $0x38;
	[tilespmem:$0x19A40] =	vst v63  }
0x174: {  	s9 =	sadd.s32 s11, s21  }
0x175: {  	[tilespmem:s23], [sflag:$0x5] =	stream.linear.gather [hbm4b:s9+s6], $0x1388, $0x38;
	[tilespmem:$0x19A40] =	vst v63  }
0x176: {  	_ =	swait.ge [sflag:s14], $0x1388  }
0x177: {  	[sflag:s14] =	ssyncset.done $0x0  }
0x178: {  	[sflag:s14] =	ssyncadd.s32 $0xFFFFEC78  }
0x179: {  	_ =	swait.ge [sflag:s14], $0x1388  }
0x17a: {  	[sflag:s14] =	ssyncset.done $0x0  }
0x17b: {  	[sflag:s14] =	ssyncadd.s32 $0xFFFFEC78  }
0x17c: {  	[tilespmem:s24], [sflag:$0x1] =	stream.indirect.gather [spmem:s1], $0x1, s13, s0, $0xb8;
	[tilespmem:$0x19A40] =	vst v63  }
0x17d: {  	_ = 	snop  }
0x17e: {  	[tilespmem:s25], [sflag:$0x1] =	stream.indirect.gather [spmem:s2], $0x1, s13, s0, $0xb8;
	[tilespmem:$0x19A40] =	vst v63  }
0x17f: {  	_ =	swait.ge [sflag:s12], $0x1388  }
0x180: {  	[sflag:s12] =	ssyncset.done $0x0  }
0x181: {  	[sflag:s12] =	ssyncadd.s32 $0xFFFFEC78  }
0x182: {  	_ =	swait.ge [sflag:s12], $0x1388  }
0x183: {  	[sflag:s12] =	ssyncset.done $0x0  }
0x184: {  	[sflag:s12] =	ssyncadd.s32 $0xFFFFEC78  }
0x185: {  	[spmem:s4] =	stream.indirect.scatter.add.f32 [tilespmem:s24], [sflag:$0x8], $0x1, s15, s0, $0xb8;
	[tilespmem:$0x19A40] =	vst v63  }
0x186: {  	_ = 	snop  }
0x187: {  	[spmem:s5] =	stream.indirect.scatter.add.f32 [tilespmem:s25], [sflag:$0x8], $0x1, s15, s0, $0xb8;
	[tilespmem:$0x19A40] =	vst v63  }
0x188: {  	_ =	swait.ge [sflag:s26], $0x1388  }
0x189: {  	[sflag:s26] =	ssyncset.done $0x0  }
0x18a: {  	[sflag:s26] =	ssyncadd.s32 $0xFFFFEC78  }
0x18b: {  	_ =	swait.ge [sflag:s26], $0x1388  }
0x18c: {  	p1 =	seq.s32 s11, $0x57E4;
	s7 =	sadd.s32 $0x4E20, s16;
	s9 =	rddreg [dreg:$0x6]  }
0x18d: {  	s7 =	sshrl.u32 @!p1 s7, $0x3;
	[sflag:s26] =	ssyncset.done $0x0;
	s16 =	rddreg [dreg:$0xd]  }
0x18e: {  	[sflag:s26] =	ssyncadd.s32 $0xFFFFEC78;
	s7 =	sadd.s32 @!p1 s16, s7;
	s16 =	simm.s32 @!p1 $0x0  }
0x18f: {  	[tilespmem:s16], [sflag:$0x2] =	stream.linear.gather @!p1 [hbm4b:s7+s16], $0x1388, $0x38;
	[tilespmem:$0x19A40] =	vst v63  }
0x190: {  	s7 =	sadd.s32 @!p1 s11, s9;
	s9 =	simm.s32 @!p1 $0x4E20  }
0x191: {  	[tilespmem:s9], [sflag:$0x2] =	stream.linear.gather @!p1 [hbm4b:s7+s16], $0x1388, $0x38;
	[tilespmem:$0x19A40] =	vst v63  }
0x192: {  	_ =	swait.ge [sflag:s28], $0x1388  }
0x193: {  	[sflag:s28] =	ssyncset.done $0x0  }
0x194: {  	[sflag:s28] =	ssyncadd.s32 $0xFFFFEC78  }
0x195: {  	_ =	swait.ge [sflag:s28], $0x1388  }
0x196: {  	[sflag:s28] =	ssyncset.done $0x0  }
0x197: {  	[sflag:s28] =	ssyncadd.s32 $0xFFFFEC78  }
0x198: {  	[tilespmem:s29], [sflag:$0x1] =	stream.indirect.gather [spmem:s1], $0x1, s22, s0, $0xb8;
	[tilespmem:$0x19A40] =	vst v63  }
0x199: {  	_ = 	snop  }
0x19a: {  	[tilespmem:s30], [sflag:$0x1] =	stream.indirect.gather [spmem:s2], $0x1, s22, s0, $0xb8;
	[tilespmem:$0x19A40] =	vst v63  }
0x19b: {  	_ =	swait.ge [sflag:s12], $0x1388  }
0x19c: {  	[sflag:s12] =	ssyncset.done $0x0  }
0x19d: {  	[sflag:s12] =	ssyncadd.s32 $0xFFFFEC78  }
0x19e: {  	_ =	swait.ge [sflag:s12], $0x1388  }
0x19f: {  	[sflag:s12] =	ssyncset.done $0x0  }
0x1a0: {  	[sflag:s12] =	ssyncadd.s32 $0xFFFFEC78  }
0x1a1: {  	[spmem:s4] =	stream.indirect.scatter.add.f32 [tilespmem:s29], [sflag:$0x9], $0x1, s23, s0, $0xb8;
	[tilespmem:$0x19A40] =	vst v63  }
0x1a2: {  	s11 =	simm.s32 $0x7  }
0x1a3: {  	[spmem:s5] =	stream.indirect.scatter.add.f32 [tilespmem:s30], [sflag:$0x9], $0x1, s23, s0, $0xb8;
	[tilespmem:$0x19A40] =	vst v63  }
0x1a4: {  	_ =	swait.ge [sflag:s11], $0x1388  }
0x1a5: {  	[sflag:s11] =	ssyncset.done $0x0  }
0x1a6: {  	[sflag:s11] =	ssyncadd.s32 $0xFFFFEC78  }
0x1a7: {  	_ =	swait.ge [sflag:s11], $0x1388  }
0x1a8: {  	[sflag:s11] =	ssyncset.done $0x0  }
0x1a9: {  	s16 =	simm.s32 $0x8;
	[sflag:s11] =	ssyncadd.s32 $0xFFFFEC78  }
0x1aa: {  	_ =	swait.ge [sflag:s16], $0x1388  }
0x1ab: {  	[sflag:s16] =	ssyncset.done $0x0  }
0x1ac: {  	[sflag:s16] =	ssyncadd.s32 $0xFFFFEC78  }
0x1ad: {  	_ =	swait.ge [sflag:s16], $0x1388  }
0x1ae: {  	[sflag:s16] =	ssyncset.done $0x0  }
0x1af: {  	s17 =	simm.s32 $0x9;
	[sflag:s16] =	ssyncadd.s32 $0xFFFFEC78  }
0x1b0: {  	_ =	swait.ge [sflag:s17], $0x1388  }
0x1b1: {  	[sflag:s17] =	ssyncset.done $0x0  }
0x1b2: {  	[sflag:s17] =	ssyncadd.s32 $0xFFFFEC78  }
0x1b3: {  	_ =	swait.ge [sflag:s17], $0x1388  }
0x1b4: {  	[sflag:s17] =	ssyncset.done $0x0  }
0x1b5: {  	[sflag:s17] =	ssyncadd.s32 $0xFFFFEC78  }
0x1b6: {  	[bflag:$0x0] =	sbarrier.arrive $0xFFFF  }
0x1b7: {  	s11 =	sld [smem:$0x7F5];
	_ =	sdelay $0x1  }
0x1b8: {  	s7 =	simm.s32 @p0 $0x1FCA;
	s9 =	rddreg [dreg:$0x18]  }
0x1b9: {  	[hbm:s9], [sflag:s7] =	dma.local @p0 [spmem:s11], $0x302  }
0x1ba: {  	s9 =	simm.s32 @p0 $0xA  }
0x1bb: {  	_ =	swait.ge @p0 [sflag:s9], $0x302  }
0x1bc: {  	s16 =	sld [smem:$0x7F6]  }
0x1bd: {  	[sflag:s9] =	ssyncset.done @p0 $0x0  }
0x1be: {  	s11 =	rddreg [dreg:$0x19];
	[sflag:s9] =	ssyncadd.s32 @p0 $0xFFFFFCFE  }
0x1bf: {  	[hbm:s11], [sflag:s7] =	dma.local @p0 [spmem:s16], $0x302  }
0x1c0: {  	_ =	swait.ge @p0 [sflag:s9], $0x302  }
0x1c1: {  	[sflag:s9] =	ssyncset.done @p0 $0x0;
	s11 =	sld [smem:$0x7F8]  }
0x1c2: {  	[sflag:s9] =	ssyncadd.s32 @p0 $0xFFFFFCFE;
	s9 =	sld [smem:$0x7F7];
	_ =	sdelay $0x1  }
0x1c3: {  	s7 =	rddreg [dreg:$0x14]  }
0x1c4: {  	[hbm:s7], [sflag:s11] =	dma.local @!p0 [spmem:s9], $0x30E  }
0x1c5: {  	s7 =	simm.s32 @!p0 $0xA  }
0x1c6: {  	_ =	swait.ge @!p0 [sflag:s7], $0x30E  }
0x1c7: {  	s9 =	sld [smem:$0x7FD]  }
0x1c8: {  	s16 =	sld [smem:$0x7F9]  }
0x1c9: {  	[sflag:s7] =	ssyncset.done @!p0 $0x0  }
0x1ca: {  	[sflag:s7] =	ssyncadd.s32 @!p0 $0xFFFFFCF2  }
0x1cb: {  	[hbm:s9], [sflag:s11] =	dma.local @!p0 [spmem:s16], $0x30E  }
0x1cc: {  	_ =	swait.ge @!p0 [sflag:s7], $0x30E  }
0x1cd: {  	s21 =	sld [smem:$0x7F4];
	_ =	sdelay $0x2  }
0x1ce: {  	s31 =	rddreg [dreg:$0x1a];
	s11 =	sadd.s32 $0x1, s21  }
0x1cf: {  	p1 =	sne.s32 s11, s31  }
.Ltmp1:
0x1d0: {  	_ = 	snop;
	(pc) =	sbr.rel @p1 .LBB2_1-.Ltmp1, $3  }
0x1d1: {  	_ =	sdelay $0x1  }
0x1d2: {  	[sflag:s7] =	ssyncset.done @!p0 $0x0  }
0x1d3: {  	[sflag:s7] =	ssyncadd.s32 @!p0 $0xFFFFFCF2  }
0x1d4: {  	_ =	sfence.sel $0x180000  }
0x1d5: {  	[bflag:$0x0] =	sbarrier.arrive $0xFFFF  }
0x1d6: {  	_ =	strace $0x9000004A  }
0x1d7: {  	s0 =	stileid.u32;
	[bflag:$0x2] =	sbarrier.arrive $0xFFFF  }
0x1d8: {  	p0 =	sne.s32 s0, $0x0;
	s0 =	rddreg [dreg:$0x5]  }
0x1d9: {  	s0 =	sadd.s32 @!p0 $0x100000, s0  }
0x1da: {  	[sflag:s0] =	ssyncadd.tile.s32 @!p0 $0x1;
	_ =	shalt  }
.Lfunc_end2:
_tile_overlayer_lowered:
.L_overlay_start_2:
0x1db: {  	(tag) =	ssettag $0x2  }
0x1dc: {  	s0 =	rddreg [dreg:$0x0];
	s2 =	stileid.u32  }
0x1dd: {  	s1 =	rddreg [dreg:$0x1];
	p0 =	sne.s32 s2, $0x0  }
0x1de: {  	s3 =	rddreg [dreg:$0x2];
	[bflag:$0x3] =	sbarrier.arrive $0xFFFF;
	s2 =	simm.s32 @!p0 $0x1C0A  }
0x1df: {  	[timem:s3], [sflag:s2] =	dma.local @!p0 [hbm:s0], s1  }
0x1e0: {  	s0 =	simm.s32 @!p0 $0xA  }
0x1e1: {  	_ =	swait.ge @!p0 [sflag:s0], s1  }
0x1e2: {  	s1 =	ssub.s32 @!p0 $0x0, s1;
	[sflag:s0] =	ssyncset.done @!p0 $0x0  }
0x1e3: {  	[sflag:s0] =	ssyncadd.s32 @!p0 s1  }
0x1e4: {  	[bflag:$0x3] =	sbarrier.arrive $0xFFFF  }
0x1e5: {  	_ =	shalt  }

// kernel: sparse-core-data-format-call.cloned.1.call-start
scs
called_computation_lowered:
.L_overlay_start_0:
0x0: {  	s2 =	sld [smem:$0x3FD9]  }
0x1: {  	s3 =	sld [smem:$0x3FFE];
	_ =	sdelay $0x1  }
0x2: {  	s1 =	srdreg.scid  }
0x3: {  	s0 =	sand.u32 $0x1, s1  }
0x4: {  	s18 =	sshll.u32 s0, $0xA;
	s2 =	sadd.s32 s3, s2  }
0x5: {  	s2 =	sadd.s32 s2, s18  }
0x6: {  	[smem:$0x3FBC] =	sst s2  }
0x7: {  	_ = 	snop  }
0x8: {  	s2 =	sld [smem:$0x3FC8];
	(tm) =	ssettm $0x1  }
0x9: {  	s19 =	sld [smem:$0x3FFB];
	_ =	sdelay $0x3  }
0xa: {  	_ =	strace s19  }
0xb: {  	s3 =	sld [smem:$0x3FFC];
	_ =	sdelay $0x3  }
0xc: {  	_ =	strace s3  }
0xd: {  	s3 =	sld [smem:$0x3FFD];
	_ =	sdelay $0x3  }
0xe: {  	_ =	strace s3  }
0xf: {  	_ =	strace $0x8FFFFFFF  }
0x10: {  	s20 =	sld [smem:$0x3FDB];
	_ =	sdelay $0x1  }
0x11: {  	s4 =	simm.s32 $_scs_section_size  }
0x12: {  	s5 =	simm.s32 $_size__tile_overlayer_lowered;
	s6 =	simm.s32 $_tile_overlayer_lowered  }
0x13: {  	s23 =	simm.s32 $0x1BFF;
	s22 =	sshll.u32 s6, $0x1;
	s3 =	sadd.s32 s4, s20  }
0x14: {  	s7 =	simm.s32 $0x0;
	s21 =	sshll.u32 s5, $0x1;
	s5 =	sadd.s32 s22, s3  }
0x15: {  	[timem:s7], [sflag:s23] =	dma.local [hbm:s5], s21  }
0x16: {  	_ =	swait.ge [sflag:s23], s21  }
0x17: {  	s4 =	ssub.s32 $0x0, s21;
	[sflag:s23] =	ssyncset.done $0x0  }
0x18: {  	[sflag:s23] =	ssyncadd.s32 s4;
	_ =	sdelay $0x1  }
0x19: {  	s24 =	simm.s32 $0x1B8B  }
0x1a: {  	_ =	swait.ge [sflag:s24], $0x1  }
0x1b: {  	[sflag:s24] =	ssyncset.done $0x0  }
0x1c: {  	s26 =	simm.s32 $0x1B8E;
	s25 =	sld [smem:$0x3FFE];
	[sflag:s24] =	ssyncadd.s32 $0xFFFFFFFF  }
0x1d: {  	s27 =	simm.s32 $execute0_lowered;
	[smem:$0x3FD2] =	sst s26  }
0x1e: {  	s5 =	sshll.u32 s27, $0x1;
	_ =	strace $0x80000046;
	[dreg:$0x1] =	wrdreg $0xFFFFFFFF  }
0x1f: {  	s28 =	simm.s32 $_size_execute0_lowered;
	s3 =	sadd.s32 s3, s5;
	[dreg:$0x0] =	wrdreg $0x0  }
0x20: {  	s5 =	sshll.u32 s28, $0x1;
	[dreg:$0x2] =	wrdreg s3  }
0x21: {  	[dreg:$0x3] =	wrdreg s5  }
0x22: {  	[dreg:$0x4] =	wrdreg $0xC0  }
0x23: {  	_ =	task [dreg:s7], $0x5FFFF  }
0x24: {  	[dreg:$0x1] =	wrdreg $0xFFFFFFFF  }
0x25: {  	[dreg:$0x0] =	wrdreg $0x60  }
0x26: {  	[dreg:$0x2] =	wrdreg s2  }
0x27: {  	[dreg:$0x3] =	wrdreg s25  }
0x28: {  	[dreg:$0x4] =	wrdreg $0x9  }
0x29: {  	_ =	task.clear_ibuf [dreg:s7], $0x5FFFF;
	_ =	strace $0x90000046  }
0x2a: {  	s29 =	simm.s32 $0x9;
	_ =	strace $0x80000048  }
0x2b: {  	_ =	swait.ge [sflag:s29], $0x1  }
0x2c: {  	[sflag:s29] =	ssyncadd.s32 $0xFFFFFFFF  }
0x2d: {  	_ =	strace $0x90000048  }
0x2e: {  	_ =	sfence  }
0x2f: {  	s30 =	sld [smem:$0x0];
	_ =	sdelay $0x2  }
0x30: {  	s31 =	sshll.u32 s1, $0xD;
	s1 =	sshrl.u32 s1, $0x2  }
0x31: {  	s3 =	sand.u32 $0x4000, s31;
	s1 =	sadd.s32 s1, s30  }
0x32: {  	s0 =	sor.u32 s3, s0;
	s1 =	sshll.u32 s1, $0x11  }
0x33: {  	s0 =	sor.u32 s1, s0  }
0x34: {  	s0 =	sadd.s32 $0x8F2B, s0  }
0x35: {  	[sflag:s0] =	ssyncadd.remote.s32 $0x1  }
0x36: {  	_ =	sfence.sel $0xFFFF  }
0x37: {  	[dreg:$0x0] =	wrdreg $0xFFFFFFFF;
	(pc) =	sbr.abs _section_cstart, $3  }
0x38: {  	[dreg:$0x1] =	wrdreg $0xFFFFFFFF  }
0x39: {  	_ =	task.clear_ibuf [dreg:s7], $0x2FFFF;
	_ =	strace $0x9FFFFFFF  }
0x3a: {  	(tm) =	ssettm $0x7FFFFFFF  }
0x3b: {  	_ =	shalt  }
tec
execute0_lowered:
.L_overlay_start_1:
0x0: {  	(tag) =	ssettag $0x1  }
0x1: {  	s0 =	stileid.u32;
	s7 =	rddreg [dreg:$0x0]  }
0x2: {  	s1 =	srdreg.scid;
	s4 =	rddreg [dreg:$0x1]  }
0x3: {  	s30 =	simm.s32 $0x2;
	s10 =	simm.s32 $0x0;
	s14 =	simm.s32 $0x0  }
0x4: {  	s15 =	simm.s32 $0x0;
	s11 =	simm.s32 $0x0;
	s13 =	simm.s32 $0x0  }
0x5: {  	s2 =	sand.u32 $0x1, s1;
	s3 =	sshll.u32 s0, $0x7;
	s1 =	rddreg [dreg:$0x2]  }
0x6: {  	_ =	strace $0x80000047;
	s5 =	ssub.s32 $0xC300, s3;
	s6 =	ssub.s32 $0x2, s2  }
.Ltmp0:
0x7: {  	s5 =	sshrl.u32 s5, $0xB;
	s8 =	sshrl.u32 s6, $0x1;
	(pc) =	sbr.rel .LBB1_1-.Ltmp0, $4  }
0x8: {  	s4 =	sadd.s32 $0x1400, s4;
	s9 =	sadd.s32 $0x1, s5;
	s6 =	ssub.s32 s6, s8  }
0x9: {  	s31 =	sshll.u32 s2, $0x4;
	s5 =	simm.s32 $0x1;
	s6 =	smul.u32 s9, s6  }
0xa: {  	s12 =	smov.u32 s3;
	s7 =	sadd.s32 s7, s31;
	[sflag:s5] =	ssyncpa.u1 $0x0  }
0xb: {  	s9 =	simm.s32 $0x0;
	[sflag:s30] =	ssyncpa.u1 $0x0;
	s8 =	sadd.s32 $0x1, s6  }
.LBB1_4:
0xc: {  	s21 =	simm.s32 $0x0  }
.LBB1_8:
0xd: {  	_ =	sdelay $0x3  }
0xe: {  	v6 =	vld [tilespmem:s18+$0xFFFFFFC0];
	[tilespmem:v0+s20+$0x30 ss:$0x1] =	vst.idx.msk @p0 $0xffff, v2  }
0xf: {  	v58 =	vld [tilespmem:s18+$0xFFFFFFD0];
	[tilespmem:v0+s20+$0x40 ss:$0x1] =	vst.idx.msk @p0 $0xffff, v3;
	s21 =	sadd.s32 @p0 $0x80, s21  }
0x10: {  	v59 =	vld [tilespmem:s18+$0xFFFFFFE0];
	[tilespmem:v0+s20+$0x50 ss:$0x1] =	vst.idx.msk @p0 $0xffff, v5;
	s19 =	smov.u32 @p0 s21  }
0x11: {  	v60 =	vld [tilespmem:s18+$0xFFFFFFF0];
	[tilespmem:v0+s20+$0x60 ss:$0x1] =	vst.idx.msk @p0 $0xffff, v4;
	s19 =	sand.u32 $0x3F80, s19  }
0x12: {  	v61 =	vld [tilespmem:s18+$0x0];
	[tilespmem:v0+s19+$0x70 ss:$0x1] =	vst.idx.msk $0xffff, v1  }
0x13: {  	v62 =	vld [tilespmem:s18+$0x10];
	[tilespmem:v0+s19+$0x0 ss:$0x1] =	vst.idx.msk $0xffff, v6  }
0x14: {  	v63 =	vld [tilespmem:s18+$0x20];
	[tilespmem:v0+s19+$0x10 ss:$0x1] =	vst.idx.msk $0xffff, v58  }
0x15: {  	[tilespmem:v0+s19+$0x20 ss:$0x1] =	vst.idx.msk $0xffff, v59  }
0x16: {  	[tilespmem:v0+s19+$0x30 ss:$0x1] =	vst.idx.msk $0xffff, v60  }
0x17: {  	[tilespmem:v0+s19+$0x40 ss:$0x1] =	vst.idx.msk $0xffff, v61  }
0x18: {  	[tilespmem:v0+s19+$0x50 ss:$0x1] =	vst.idx.msk $0xffff, v62  }
0x19: {  	[tilespmem:v0+s19+$0x60 ss:$0x1] =	vst.idx.msk $0xffff, v63  }
.LBB1_9:
0x1a: {  	s18 =	sand.u32 $0x1FFFFFF, s11  }
0x1b: {  	s19 =	smulhi.u32 $0x14F8B59, s18;
	_ =	sdelay $0x1  }
0x1c: {  	s19 =	sshrl.u32 s19, $0x8  }
0x1d: {  	s19 =	smul.u32 $0xC350, s19  }
0x1e: {  	s15 =	smul.u32 $0xC3500, s15  }
0x1f: {  	s18 =	ssub.s32 s18, s19  }
0x20: {  	s15 =	sadd.s32 s4, s15;
	s18 =	sshll.u32 s18, $0x4  }
0x21: {  	s15 =	sadd.s32 s18, s15  }
0x22: {  	[hbm4b:s15+s9] =	stream.linear.scatter [tilespmem:s17], [sflag:$0x2], s16, $0x38;
	[tilespmem:$0x10000] =	vst v63  }
.LBB1_10:
0x23: {  	p0 =	slt.u32 s13, $0x2  }
0x24: {  	p1 =	sgt.s32 @!p0 s14, $0xC2D0  }
0x25: {  	s15 =	smov.u32 s14;
	s16 =	sshra.s32 @!p0 s14, $0x1F;
	p1 =	por !p1, p0  }
0x26: {  	s14 =	sand.u32 @!p0 s16, s14;
	s15 =	simm.s32 @p1 $0xC2D0  }
0x27: {  	s14 =	ssub.s32 @!p0 s15, s14  }
0x28: {  	s14 =	sadd.s32 @!p0 $0xFFFF3D30, s14  }
0x29: {  	s15 =	sshll.u32 @!p0 s14, $0x7  }
0x2a: {  	p1 =	sgt.s32 @!p0 s14, $0x7F;
	s14 =	ssub.s32 @!p0 $0x4000, s15  }
0x2b: {  	s16 =	sadd.s32 $0x800, s12;
	p1 =	por !p1, p0;
	s14 =	sand.u32 @!p0 $0x3FFFFF80, s14  }
0x2c: {  	s14 =	simm.s32 @!p1 $0x0;
	p1 =	sgt.s32 s16, $0xC34F  }
0x2d: {  	s16 =	smov.u32 @p1 s3;
	p1 =	sne.s32 s13, s8  }
.Ltmp1:
0x2e: {  	_ = 	snop;
	(pc) =	sbr.rel @!p1 .LBB1_11-.Ltmp1, $4  }
0x2f: {  	s10 =	sadd.s32 $0x4000, s10;
	s15 =	simm.s32 @!p0 $0x2  }
0x30: {  	_ =	swait.ge @!p0 [sflag:s15], s14;
	s17 =	ssub.s32 @!p0 $0x0, s14;
	s14 =	smov.u32 s11  }
0x31: {  	s13 =	sadd.s32 $0x1, s13;
	s11 =	smov.u32 s12;
	[sflag:s15] =	ssyncset.done @!p0 $0x0  }
0x32: {  	s12 =	smov.u32 s16;
	[sflag:s15] =	ssyncadd.s32 @!p0 s17;
	s15 =	smov.u32 s2  }
.LBB1_1:
0x33: {  	p0 =	sge.u32 s13, s6  }
0x34: {  	p1 =	sgt.s32 @!p0 s12, $0xC2D0  }
0x35: {  	s16 =	smov.u32 s12;
	s17 =	sshra.s32 @!p0 s12, $0x1F;
	p1 =	por !p1, p0  }
0x36: {  	s17 =	sand.u32 @!p0 s17, s12;
	s16 =	simm.s32 @p1 $0xC2D0  }
0x37: {  	s16 =	ssub.s32 @!p0 s16, s17  }
0x38: {  	s31 =	sadd.s32 $0xFFFFFFFF, s13;
	s18 =	sxor.u32 @!p0 $0xFFFFFFFF, s13;
	s16 =	sadd.s32 @!p0 $0xFFFF3D30, s16  }
0x39: {  	s19 =	simm.s32 @!p0 $0x80;
	s20 =	simm.s32 @!p0 $0x100;
	s17 =	sshll.u32 @!p0 s16, $0x7  }
0x3a: {  	p1 =	sgt.s32 @!p0 s16, $0x7F;
	s16 =	ssub.s32 @!p0 $0x4000, s17;
	s17 =	sshll.u32 @!p0 s18, $0xE  }
0x3b: {  	p1 =	por !p1, p0;
	s18 =	sshll.u32 @!p0 s12, $0x5;
	s16 =	sand.u32 @!p0 $0x3FFFFF80, s16  }
0x3c: {  	s17 =	sand.u32 @!p0 $0x4000, s17;
	s18 =	sadd.s32 @!p0 s18, s7;
	s16 =	simm.s32 @!p1 $0x0  }
0x3d: {  	[tilespmem:s17], [sflag:$0x1] =	stream.strided.gather @!p0 [hbm4b:s18+s19], s16, s20, s19, $0x38;
	[tilespmem:$0x10000] =	vst v63  }
0x3e: {  	p0 =	sge.u32 s31, s6  }
.Ltmp2:
0x3f: {  	_ = 	snop;
	(pc) =	sbr.rel @p0 .LBB1_10-.Ltmp2, $1  }
0x40: {  	_ =	sdelay $0x3  }
0x41: {  	p0 =	sgt.s32 s11, $0xC2D0;
	s16 =	smov.u32 s11;
	s17 =	sshra.s32 s11, $0x1F  }
0x42: {  	s16 =	simm.s32 @!p0 $0xC2D0;
	s17 =	sand.u32 s17, s11  }
0x43: {  	s16 =	ssub.s32 s16, s17  }
0x44: {  	s16 =	sadd.s32 $0xFFFF3D30, s16  }
0x45: {  	s30 =	sshll.u32 s16, $0x7  }
0x46: {  	s17 =	ssub.s32 $0x4000, s30  }
0x47: {  	p0 =	sgt.s32 s16, $0x7F;
	s16 =	sand.u32 $0x3FFFFF80, s17;
	s17 =	sadd.s32 $0x80, s11  }
0x48: {  	s16 =	simm.s32 @p0 $0x0;
	p0 =	slt.s32 s17, $0xC350  }
0x49: {  	s17 =	simm.s32 @!p0 $0xC350  }
0x4a: {  	s20 =	ssub.s32 s17, s11  }
0x4b: {  	p0 =	slt.s32 s20, $0x1  }
.Ltmp3:
0x4c: {  	_ = 	snop;
	(pc) =	sbr.rel @p0 .LBB1_9-.Ltmp3, $4  }
0x4d: {  	_ = 	snop  }
0x4e: {  	s19 =	sshll.u32 s13, $0xE;
	_ =	swait.ge [sflag:s5], s16  }
0x4f: {  	s31 =	sand.u32 $0x4000, s19;
	s18 =	ssub.s32 $0x0, s16;
	[sflag:s5] =	ssyncset.done $0x0  }
0x50: {  	s17 =	sor.u32 $0x8000, s31;
	[sflag:s5] =	ssyncadd.s32 s18  }
0x51: {  	p1 =	sne.s32 s20, $0x1  }
.Ltmp4:
0x52: {  	v0 =	vmov s17;
	(pc) =	sbr.rel @!p1 .LBB1_4-.Ltmp4, $4  }
0x53: {  	_ = 	snop  }
0x54: {  	s18 =	sand.u32 $0x4000, s10  }
0x55: {  	s18 =	sor.u32 $0x40, s18  }
0x56: {  	s19 =	simm.s32 $0x0;
	s21 =	sadd.s32 $0xFFFFFFFF, s20;
	p0 =	por $0x0, $0x0;
	v1 =	vld [tilespmem:s18+$0x30]  }
0x57: {  	v4 =	vld [tilespmem:s18+$0xFFFFFFC0]  }
0x58: {  	v6 =	vld [tilespmem:s18+$0xFFFFFFD0]  }
0x59: {  	v7 =	vld [tilespmem:s18+$0xFFFFFFE0];
	p1 =	sne.s32 s21, $0x1  }
.Ltmp5:
0x5a: {  	v2 =	vld [tilespmem:s18+$0xFFFFFFF0];
	s20 =	sand.u32 $0x3F80, s19;
	(pc) =	sbr.rel @!p1 .LBB1_6-.Ltmp5, $4  }
0x5b: {  	v3 =	vld [tilespmem:s18+$0x0];
	[tilespmem:v0+s20+$0x70 ss:$0x1] =	vst.idx.msk $0xffff, v1  }
0x5c: {  	v5 =	vld [tilespmem:s18+$0x10];
	[tilespmem:v0+s20+$0x0 ss:$0x1] =	vst.idx.msk $0xffff, v4  }
0x5d: {  	v4 =	vld [tilespmem:s18+$0x20];
	[tilespmem:v0+s20+$0x10 ss:$0x1] =	vst.idx.msk $0xffff, v6;
	s18 =	sadd.s32 $0x80, s18  }
0x5e: {  	s22 =	sadd.s32 $0xFFFFFFFF, s21;
	p0 =	por $0x1, $0x1;
	s21 =	simm.s32 $0x0;
	[tilespmem:v0+s20+$0x20 ss:$0x1] =	vst.idx.msk $0xffff, v7;
	v1 =	vld [tilespmem:s18+$0x30]  }
.LBB1_7:
0x5f: {  	p1 =	sne.s32 s22, $0x1;
	v6 =	vld [tilespmem:s18+$0xFFFFFFC0];
	[tilespmem:v0+s20+$0x30 ss:$0x1] =	vst.idx.msk $0xffff, v2  }
0x60: {  	v7 =	vld [tilespmem:s18+$0xFFFFFFD0];
	[tilespmem:v0+s20+$0x40 ss:$0x1] =	vst.idx.msk $0xffff, v3  }
0x61: {  	s21 =	sadd.s32 $0x80, s21;
	v8 =	vld [tilespmem:s18+$0xFFFFFFE0];
	[tilespmem:v0+s20+$0x50 ss:$0x1] =	vst.idx.msk $0xffff, v5  }
.Ltmp6:
0x62: {  	v2 =	vld [tilespmem:s18+$0xFFFFFFF0];
	[tilespmem:v0+s20+$0x60 ss:$0x1] =	vst.idx.msk $0xffff, v4;
	s20 =	sand.u32 $0x3F80, s21;
	(pc) =	sbr.rel @p1 .LBB1_7-.Ltmp6, $4  }
0x63: {  	v3 =	vld [tilespmem:s18+$0x0];
	[tilespmem:v0+s20+$0x70 ss:$0x1] =	vst.idx.msk $0xffff, v1  }
0x64: {  	[tilespmem:v0+s20+$0x0 ss:$0x1] =	vst.idx.msk $0xffff, v6;
	v5 =	vld [tilespmem:s18+$0x10]  }
0x65: {  	[tilespmem:v0+s20+$0x10 ss:$0x1] =	vst.idx.msk $0xffff, v7;
	v4 =	vld [tilespmem:s18+$0x20];
	s18 =	sadd.s32 $0x80, s18  }
0x66: {  	s22 =	sadd.s32 $0xFFFFFFFF, s22;
	v1 =	vld [tilespmem:s18+$0x30];
	[tilespmem:v0+s20+$0x20 ss:$0x1] =	vst.idx.msk $0xffff, v8  }
.Ltmp7:
0x67: {  	_ = 	snop;
	(pc) =	sbr.rel .LBB1_8-.Ltmp7, $1  }
0x68: {  	_ =	sdelay $0x3  }
.LBB1_6:
.Ltmp8:
0x69: {  	(pc) =	sbr.rel .LBB1_8-.Ltmp8, $2  }
0x6a: {  	_ =	sdelay $0x2  }
0x6b: {  	s21 =	simm.s32 $0x0  }
.LBB1_11:
0x6c: {  	_ =	sfence.sel $0x180000  }
0x6d: {  	s2 =	simm.s32 $0x1;
	[bflag:$0x0] =	sbarrier.arrive $0xFFFF  }
0x6e: {  	s31 =	simm.s32 $0x2;
	[sflag:s2] =	ssyncpa.u1 $0x1  }
0x6f: {  	[sflag:s31] =	ssyncpa.u1 $0x1  }
0x70: {  	p0 =	sne.s32 s0, $0x0;
	_ =	strace $0x90000047  }
0x71: {  	s0 =	sadd.s32 @!p0 $0x100000, s1;
	[bflag:$0x2] =	sbarrier.arrive $0xFFFF  }
0x72: {  	[sflag:s0] =	ssyncadd.tile.s32 @!p0 $0x1;
	_ =	shalt  }
.Lfunc_end1:
_tile_overlayer_lowered:
.L_overlay_start_2:
0x73: {  	(tag) =	ssettag $0x2  }
0x74: {  	s0 =	rddreg [dreg:$0x0];
	s2 =	stileid.u32  }
0x75: {  	s1 =	rddreg [dreg:$0x1];
	p0 =	sne.s32 s2, $0x0  }
0x76: {  	s3 =	rddreg [dreg:$0x2];
	[bflag:$0x3] =	sbarrier.arrive $0xFFFF;
	s2 =	simm.s32 @!p0 $0x1C01  }
0x77: {  	[timem:s3], [sflag:s2] =	dma.local @!p0 [hbm:s0], s1  }
0x78: {  	s0 =	simm.s32 @!p0 $0x1  }
0x79: {  	_ =	swait.ge @!p0 [sflag:s0], s1  }
0x7a: {  	s1 =	ssub.s32 @!p0 $0x0, s1;
	[sflag:s0] =	ssyncset.done @!p0 $0x0  }
0x7b: {  	[sflag:s0] =	ssyncadd.s32 @!p0 s1  }
0x7c: {  	[bflag:$0x3] =	sbarrier.arrive $0xFFFF  }
0x7d: {  	_ =	shalt  }

</sc_bundles>
